<compile_context>
chip_gen: v7x
topology: tpu7x:2x2x1
jax: 0.10.2.dev20260603
libtpu: 0.0.44.dev20260713+nightly
codegen_flags: <defaults>
</compile_context>

<pallas_src>
import functools

import jax
import jax.numpy as jnp
from jax import lax
from jax.experimental import pallas as pl
from jax.experimental.pallas import tpu as pltpu
from jax.experimental.pallas import tpu_sc as plsc

N_NODES = 10000
N_EDGES = 320000
D_FEAT = 128

NC = 2
NS = 16
NW = NC * NS
CHUNK = 128
N_CHUNKS = 80
HALF = N_CHUNKS // 2
E_PER_W = N_CHUNKS * CHUNK
E_PAD = NW * E_PER_W
N_PAD = 10240
ROWS_PER_TILE = N_PAD // NS


def _sc_partials(x, row_idx, col_idx):
    mesh = plsc.VectorSubcoreMesh(core_axis_name="c", subcore_axis_name="s")

    @functools.partial(
        pl.kernel,
        mesh=mesh,
        out_type=jax.ShapeDtypeStruct((NC, N_PAD, D_FEAT), jnp.float32),
        scratch_types=[
            pltpu.VMEM((HALF, CHUNK), jnp.int32),
            pltpu.VMEM((HALF, CHUNK), jnp.int32),
            pltpu.VMEM((CHUNK, D_FEAT), jnp.float32),
            pltpu.VMEM((CHUNK, D_FEAT), jnp.float32),
            pltpu.VMEM_SHARED((N_PAD, D_FEAT), jnp.float32),
            pltpu.SemaphoreType.DMA,
            pltpu.SemaphoreType.DMA,
            pltpu.SemaphoreType.DMA,
            pltpu.SemaphoreType.DMA,
        ],
    )
    def k(x_hbm, row_hbm, col_hbm, out_hbm,
          row_v, col_v, msg_a, msg_b, acc, sem_a, sem_b, sem_sa, sem_sb):
        c = lax.axis_index("c")
        s = lax.axis_index("s")
        wid = s * NC + c
        r0 = s * ROWS_PER_TILE
        zvec = jnp.zeros((16,), jnp.float32)

        def zbody(i, carry):
            for l in range(D_FEAT // 16):
                msg_a[i, pl.ds(l * 16, 16)] = zvec
            return carry

        lax.fori_loop(0, CHUNK, zbody, 0)
        for t in range(ROWS_PER_TILE // CHUNK):
            pltpu.sync_copy(msg_a, acc.at[pl.ds(r0 + t * CHUNK, CHUNK)])
        plsc.subcore_barrier()

        for h in range(2):
            pltpu.sync_copy(row_hbm.at[wid, h], row_v)
            pltpu.sync_copy(col_hbm.at[wid, h], col_v)
            pltpu.async_copy(x_hbm.at[row_v.at[0]], msg_a, sem_a)

            def body(i, carry):
                ja = 2 * i
                jb = 2 * i + 1
                pltpu.async_copy(x_hbm.at[row_v.at[jb]], msg_b, sem_b)
                pltpu.make_async_copy(x_hbm.at[row_v.at[ja]], msg_a, sem_a).wait()
                pltpu.sync_copy(msg_a, acc.at[col_v.at[ja]], add=True)

                @pl.when(jb + 1 < HALF)
                def _():
                    pltpu.async_copy(x_hbm.at[row_v.at[jb + 1]], msg_a, sem_a)

                pltpu.make_async_copy(x_hbm.at[row_v.at[jb]], msg_b, sem_b).wait()
                pltpu.sync_copy(msg_b, acc.at[col_v.at[jb]], add=True)
                return carry

            lax.fori_loop(0, HALF // 2, body, 0)

        plsc.subcore_barrier()
        pltpu.sync_copy(acc.at[pl.ds(r0, ROWS_PER_TILE)],
                        out_hbm.at[c, pl.ds(r0, ROWS_PER_TILE)])

    return k(x, row_idx, col_idx)


def _tc_add(partials):
    blk = 2000

    def body(p_ref, o_ref):
        o_ref[...] = p_ref[0] + p_ref[1]

    return pl.pallas_call(
        body,
        grid=(N_NODES // blk,),
        in_specs=[pl.BlockSpec((NC, blk, D_FEAT), lambda i: (0, i, 0))],
        out_specs=pl.BlockSpec((blk, D_FEAT), lambda i: (i, 0)),
        out_shape=jax.ShapeDtypeStruct((N_NODES, D_FEAT), jnp.float32),
    )(partials)


def kernel(graph_or_x, edge_index):
    x = graph_or_x.astype(jnp.float32)
    ei = edge_index.astype(jnp.int32)
    n_extra = E_PAD - N_EDGES
    pad = jnp.arange(n_extra, dtype=jnp.int32)
    row = jnp.concatenate([ei[0], pad % N_NODES])
    col = jnp.concatenate([ei[1], N_NODES + pad % (N_PAD - N_NODES)])
    row = row.reshape(NW, 2, HALF, CHUNK)
    col = col.reshape(NW, 2, HALF, CHUNK)
    partials = _sc_partials(x, row, col)
    return _tc_add(partials)

# --- scband reference (transcript-rebuilt; emitter-appended) ---
"""Pipeline reference for scband-message-passing-35536559407204 (READ-ONLY COPY).

The authoritative reference and input builder live on the scoring server;
editing this copy changes nothing except your own understanding.
"""

import jax, jax.numpy as jnp
import numpy as np

N_NODES = 10000
N_EDGES = 320000
D_FEAT = 128


def setup_inputs(seed: int = 0) -> dict:
    key = jax.random.key(seed)
    k1, k2 = jax.random.split(key)
    x = jax.random.normal(k1, (N_NODES, D_FEAT), dtype=jnp.float32)
    edge_index = jax.random.randint(k2, (2, N_EDGES), 0, N_NODES, dtype=jnp.int32).astype(jnp.int64)
    return {"graph_or_x": x, "edge_index": edge_index}


def reference(graph_or_x, edge_index):
    x = graph_or_x
    row = edge_index[0]
    col = edge_index[1]
    # message(x_j, x_i) = x_j  -> gather source-node features
    messages = jnp.take(x, row, axis=0)
    # scatter-add into destination nodes (index_add_ on col)
    out = jnp.zeros_like(x).at[col].add(messages)
    # update(aggr_out) = aggr_out (identity)
    return out

if __name__ == "__main__":
    import jax
    _d = setup_inputs()
    print(jax.jit(kernel)(*tuple(_d.values())))

</pallas_src>

<mosaic_0001>
#map = affine_map<(d0, d1) -> (0, 0)>
#map1 = affine_map<(d0, d1) -> (0, 0, 0, 0)>
#map2 = affine_map<(d0, d1) -> (0, 0, 0)>
module attributes {stable_mosaic.version = 14 : i64} {
  func.func @k(%arg0: i32, %arg1: i32, %arg2: memref<10000x128xf32, #tpu.memory_space<hbm>>, %arg3: memref<32x2x40x128xi32, #tpu.memory_space<hbm>>, %arg4: memref<32x2x40x128xi32, #tpu.memory_space<hbm>>, %arg5: memref<2x10240x128xf32, #tpu.memory_space<hbm>>, %arg6: memref<40x128xi32, #tpu.memory_space<vmem>>, %arg7: memref<40x128xi32, #tpu.memory_space<vmem>>, %arg8: memref<128x128xf32, #tpu.memory_space<vmem>>, %arg9: memref<128x128xf32, #tpu.memory_space<vmem>>, %arg10: memref<10240x128xf32, #tpu.memory_space<vmem_shared>>, %arg11: memref<!tpu.dma_semaphore, #tpu.memory_space<semaphore_mem>>, %arg12: memref<!tpu.dma_semaphore, #tpu.memory_space<semaphore_mem>>, %arg13: memref<!tpu.dma_semaphore, #tpu.memory_space<semaphore_mem>>, %arg14: memref<!tpu.dma_semaphore, #tpu.memory_space<semaphore_mem>>) attributes {dimension_semantics = [#tpu.dimension_semantics<core_parallel>, #tpu.dimension_semantics<subcore_parallel>], iteration_bounds = array<i64: 2, 16>, scalar_prefetch = 0 : i64, scratch_operands = 9 : i64, tpu.core_type = #tpu.core_type<sc_vector_subcore>, window_params = [{transform_indices = #map}, {transform_indices = #map1}, {transform_indices = #map1}, {transform_indices = #map2}]} {
    %mul3A = arith.constant 2 : i32
    %mul3A_0 = arith.muli %arg1, %mul3A : i32
    %add3A = arith.addi %mul3A_0, %arg0 : i32
    %mul3A_1 = arith.constant 640 : i32
    %mul3A_2 = arith.muli %arg1, %mul3A_1 : i32
    %broadcast_in_dim3A = arith.constant 0.000000e+00 : f32
    %broadcast_in_dim3A_3 = vector.broadcast %broadcast_in_dim3A : f32 to vector<16xf32>
    %scan3A = arith.constant 0 : i32
    %scan3A_4 = arith.constant 0 : i32
    %scan3A_5 = arith.constant 128 : i32
    %scan3A_6 = arith.addi %scan3A_4, %scan3A_5 : i32
    %scan3A_7 = arith.constant 1 : i32
    scf.for %scan3A_48 = %scan3A_4 to %scan3A_6 step %scan3A_7  : i32 {
      %swap3A = arith.index_cast %scan3A_48 : i32 to index
      %swap3A_49 = arith.constant 0 : index
      %swap3A_50 = tpu.vector_load %arg8[%swap3A, %swap3A_49] {strides = array<i32>} : memref<128x128xf32, #tpu.memory_space<vmem>>, vector<1x16xf32>,
      %swap3A_51 = vector.shape_cast %swap3A_50 : vector<1x16xf32> to vector<16xf32>
      %swap3A_52 = vector.shape_cast %broadcast_in_dim3A_3 : vector<16xf32> to vector<1x16xf32>
      tpu.vector_store %arg8[%swap3A, %swap3A_49], %swap3A_52 {strides = array<i32>} : memref<128x128xf32, #tpu.memory_space<vmem>>, vector<1x16xf32>,
      %swap3A_53 = arith.index_cast %scan3A_48 : i32 to index
      %swap3A_54 = arith.constant 16 : index
      %swap3A_55 = tpu.vector_load %arg8[%swap3A_53, %swap3A_54] {strides = array<i32>} : memref<128x128xf32, #tpu.memory_space<vmem>>, vector<1x16xf32>,
      %swap3A_56 = vector.shape_cast %swap3A_55 : vector<1x16xf32> to vector<16xf32>
      %swap3A_57 = vector.shape_cast %broadcast_in_dim3A_3 : vector<16xf32> to vector<1x16xf32>
      tpu.vector_store %arg8[%swap3A_53, %swap3A_54], %swap3A_57 {strides = array<i32>} : memref<128x128xf32, #tpu.memory_space<vmem>>, vector<1x16xf32>,
      %swap3A_58 = arith.index_cast %scan3A_48 : i32 to index
      %swap3A_59 = arith.constant 32 : index
      %swap3A_60 = tpu.vector_load %arg8[%swap3A_58, %swap3A_59] {strides = array<i32>} : memref<128x128xf32, #tpu.memory_space<vmem>>, vector<1x16xf32>,
      %swap3A_61 = vector.shape_cast %swap3A_60 : vector<1x16xf32> to vector<16xf32>
      %swap3A_62 = vector.shape_cast %broadcast_in_dim3A_3 : vector<16xf32> to vector<1x16xf32>
      tpu.vector_store %arg8[%swap3A_58, %swap3A_59], %swap3A_62 {strides = array<i32>} : memref<128x128xf32, #tpu.memory_space<vmem>>, vector<1x16xf32>,
      %swap3A_63 = arith.index_cast %scan3A_48 : i32 to index
      %swap3A_64 = arith.constant 48 : index
      %swap3A_65 = tpu.vector_load %arg8[%swap3A_63, %swap3A_64] {strides = array<i32>} : memref<128x128xf32, #tpu.memory_space<vmem>>, vector<1x16xf32>,
      %swap3A_66 = vector.shape_cast %swap3A_65 : vector<1x16xf32> to vector<16xf32>
      %swap3A_67 = vector.shape_cast %broadcast_in_dim3A_3 : vector<16xf32> to vector<1x16xf32>
      tpu.vector_store %arg8[%swap3A_63, %swap3A_64], %swap3A_67 {strides = array<i32>} : memref<128x128xf32, #tpu.memory_space<vmem>>, vector<1x16xf32>,
      %swap3A_68 = arith.index_cast %scan3A_48 : i32 to index
      %swap3A_69 = arith.constant 64 : index
      %swap3A_70 = tpu.vector_load %arg8[%swap3A_68, %swap3A_69] {strides = array<i32>} : memref<128x128xf32, #tpu.memory_space<vmem>>, vector<1x16xf32>,
      %swap3A_71 = vector.shape_cast %swap3A_70 : vector<1x16xf32> to vector<16xf32>
      %swap3A_72 = vector.shape_cast %broadcast_in_dim3A_3 : vector<16xf32> to vector<1x16xf32>
      tpu.vector_store %arg8[%swap3A_68, %swap3A_69], %swap3A_72 {strides = array<i32>} : memref<128x128xf32, #tpu.memory_space<vmem>>, vector<1x16xf32>,
      %swap3A_73 = arith.index_cast %scan3A_48 : i32 to index
      %swap3A_74 = arith.constant 80 : index
      %swap3A_75 = tpu.vector_load %arg8[%swap3A_73, %swap3A_74] {strides = array<i32>} : memref<128x128xf32, #tpu.memory_space<vmem>>, vector<1x16xf32>,
      %swap3A_76 = vector.shape_cast %swap3A_75 : vector<1x16xf32> to vector<16xf32>
      %swap3A_77 = vector.shape_cast %broadcast_in_dim3A_3 : vector<16xf32> to vector<1x16xf32>
      tpu.vector_store %arg8[%swap3A_73, %swap3A_74], %swap3A_77 {strides = array<i32>} : memref<128x128xf32, #tpu.memory_space<vmem>>, vector<1x16xf32>,
      %swap3A_78 = arith.index_cast %scan3A_48 : i32 to index
      %swap3A_79 = arith.constant 96 : index
      %swap3A_80 = tpu.vector_load %arg8[%swap3A_78, %swap3A_79] {strides = array<i32>} : memref<128x128xf32, #tpu.memory_space<vmem>>, vector<1x16xf32>,
      %swap3A_81 = vector.shape_cast %swap3A_80 : vector<1x16xf32> to vector<16xf32>
      %swap3A_82 = vector.shape_cast %broadcast_in_dim3A_3 : vector<16xf32> to vector<1x16xf32>
      tpu.vector_store %arg8[%swap3A_78, %swap3A_79], %swap3A_82 {strides = array<i32>} : memref<128x128xf32, #tpu.memory_space<vmem>>, vector<1x16xf32>,
      %swap3A_83 = arith.index_cast %scan3A_48 : i32 to index
      %swap3A_84 = arith.constant 112 : index
      %swap3A_85 = tpu.vector_load %arg8[%swap3A_83, %swap3A_84] {strides = array<i32>} : memref<128x128xf32, #tpu.memory_space<vmem>>, vector<1x16xf32>,
      %swap3A_86 = vector.shape_cast %swap3A_85 : vector<1x16xf32> to vector<16xf32>
      %swap3A_87 = vector.shape_cast %broadcast_in_dim3A_3 : vector<16xf32> to vector<1x16xf32>
      tpu.vector_store %arg8[%swap3A_83, %swap3A_84], %swap3A_87 {strides = array<i32>} : memref<128x128xf32, #tpu.memory_space<vmem>>, vector<1x16xf32>,
    }
    %scan3A_8 = arith.constant 128 : i32
    %add3A_9 = arith.constant 0 : i32
    %add3A_10 = arith.addi %mul3A_2, %add3A_9 : i32
    "tpu.region"() ({
      %run_scoped3A_48 = tpu.sem_alloc : memref<!tpu.dma_semaphore, #tpu.memory_space<semaphore_mem>>
      %dma_start3A_49 = arith.constant 0 : i32
      %dma_start3A_50 = tpu.memref_slice %arg10[%add3A_10, %dma_start3A_49] : memref<10240x128xf32, #tpu.memory_space<vmem_shared>> -> memref<128x128xf32, #tpu.memory_space<vmem_shared>>
      %dma_start3A_51 = arith.constant 0 : i32
      %dma_start3A_52 = tpu.memref_slice %arg10[%add3A_10, %dma_start3A_51] : memref<10240x128xf32, #tpu.memory_space<vmem_shared>> -> memref<128x128xf32, #tpu.memory_space<vmem_shared>>
      tpu.enqueue_dma source(%arg8 : memref<128x128xf32, #tpu.memory_space<vmem>>) target(%dma_start3A_52 : memref<128x128xf32, #tpu.memory_space<vmem_shared>>) target_semaphore(%run_scoped3A_48 : memref<!tpu.dma_semaphore, #tpu.memory_space<semaphore_mem>>)
      %dma_wait3A = arith.constant 0 : i32
      %dma_wait3A_53 = tpu.memref_slice %arg10[%add3A_10, %dma_wait3A] : memref<10240x128xf32, #tpu.memory_space<vmem_shared>> -> memref<128x128xf32, #tpu.memory_space<vmem_shared>>
      %dma_wait3A_54 = arith.constant 0 : i32
      %dma_wait3A_55 = tpu.memref_slice %arg10[%add3A_10, %dma_wait3A_54] : memref<10240x128xf32, #tpu.memory_space<vmem_shared>> -> memref<128x128xf32, #tpu.memory_space<vmem_shared>>
      tpu.wait_dma2 semaphore(%run_scoped3A_48 : memref<!tpu.dma_semaphore, #tpu.memory_space<semaphore_mem>>) src(%arg8 : memref<128x128xf32, #tpu.memory_space<vmem>>) dst(%dma_wait3A_55 : memref<128x128xf32, #tpu.memory_space<vmem_shared>>)
      tpu.yield
    }) : () -> ()
    %add3A_11 = arith.constant 128 : i32
    %add3A_12 = arith.addi %mul3A_2, %add3A_11 : i32
    "tpu.region"() ({
      %run_scoped3A_48 = tpu.sem_alloc : memref<!tpu.dma_semaphore, #tpu.memory_space<semaphore_mem>>
      %dma_start3A_49 = arith.constant 0 : i32
      %dma_start3A_50 = tpu.memref_slice %arg10[%add3A_12, %dma_start3A_49] : memref<10240x128xf32, #tpu.memory_space<vmem_shared>> -> memref<128x128xf32, #tpu.memory_space<vmem_shared>>
      %dma_start3A_51 = arith.constant 0 : i32
      %dma_start3A_52 = tpu.memref_slice %arg10[%add3A_12, %dma_start3A_51] : memref<10240x128xf32, #tpu.memory_space<vmem_shared>> -> memref<128x128xf32, #tpu.memory_space<vmem_shared>>
      tpu.enqueue_dma source(%arg8 : memref<128x128xf32, #tpu.memory_space<vmem>>) target(%dma_start3A_52 : memref<128x128xf32, #tpu.memory_space<vmem_shared>>) target_semaphore(%run_scoped3A_48 : memref<!tpu.dma_semaphore, #tpu.memory_space<semaphore_mem>>)
      %dma_wait3A = arith.constant 0 : i32
      %dma_wait3A_53 = tpu.memref_slice %arg10[%add3A_12, %dma_wait3A] : memref<10240x128xf32, #tpu.memory_space<vmem_shared>> -> memref<128x128xf32, #tpu.memory_space<vmem_shared>>
      %dma_wait3A_54 = arith.constant 0 : i32
      %dma_wait3A_55 = tpu.memref_slice %arg10[%add3A_12, %dma_wait3A_54] : memref<10240x128xf32, #tpu.memory_space<vmem_shared>> -> memref<128x128xf32, #tpu.memory_space<vmem_shared>>
      tpu.wait_dma2 semaphore(%run_scoped3A_48 : memref<!tpu.dma_semaphore, #tpu.memory_space<semaphore_mem>>) src(%arg8 : memref<128x128xf32, #tpu.memory_space<vmem>>) dst(%dma_wait3A_55 : memref<128x128xf32, #tpu.memory_space<vmem_shared>>)
      tpu.yield
    }) : () -> ()
    %add3A_13 = arith.constant 256 : i32
    %add3A_14 = arith.addi %mul3A_2, %add3A_13 : i32
    "tpu.region"() ({
      %run_scoped3A_48 = tpu.sem_alloc : memref<!tpu.dma_semaphore, #tpu.memory_space<semaphore_mem>>
      %dma_start3A_49 = arith.constant 0 : i32
      %dma_start3A_50 = tpu.memref_slice %arg10[%add3A_14, %dma_start3A_49] : memref<10240x128xf32, #tpu.memory_space<vmem_shared>> -> memref<128x128xf32, #tpu.memory_space<vmem_shared>>
      %dma_start3A_51 = arith.constant 0 : i32
      %dma_start3A_52 = tpu.memref_slice %arg10[%add3A_14, %dma_start3A_51] : memref<10240x128xf32, #tpu.memory_space<vmem_shared>> -> memref<128x128xf32, #tpu.memory_space<vmem_shared>>
      tpu.enqueue_dma source(%arg8 : memref<128x128xf32, #tpu.memory_space<vmem>>) target(%dma_start3A_52 : memref<128x128xf32, #tpu.memory_space<vmem_shared>>) target_semaphore(%run_scoped3A_48 : memref<!tpu.dma_semaphore, #tpu.memory_space<semaphore_mem>>)
      %dma_wait3A = arith.constant 0 : i32
      %dma_wait3A_53 = tpu.memref_slice %arg10[%add3A_14, %dma_wait3A] : memref<10240x128xf32, #tpu.memory_space<vmem_shared>> -> memref<128x128xf32, #tpu.memory_space<vmem_shared>>
      %dma_wait3A_54 = arith.constant 0 : i32
      %dma_wait3A_55 = tpu.memref_slice %arg10[%add3A_14, %dma_wait3A_54] : memref<10240x128xf32, #tpu.memory_space<vmem_shared>> -> memref<128x128xf32, #tpu.memory_space<vmem_shared>>
      tpu.wait_dma2 semaphore(%run_scoped3A_48 : memref<!tpu.dma_semaphore, #tpu.memory_space<semaphore_mem>>) src(%arg8 : memref<128x128xf32, #tpu.memory_space<vmem>>) dst(%dma_wait3A_55 : memref<128x128xf32, #tpu.memory_space<vmem_shared>>)
      tpu.yield
    }) : () -> ()
    %add3A_15 = arith.constant 384 : i32
    %add3A_16 = arith.addi %mul3A_2, %add3A_15 : i32
    "tpu.region"() ({
      %run_scoped3A_48 = tpu.sem_alloc : memref<!tpu.dma_semaphore, #tpu.memory_space<semaphore_mem>>
      %dma_start3A_49 = arith.constant 0 : i32
      %dma_start3A_50 = tpu.memref_slice %arg10[%add3A_16, %dma_start3A_49] : memref<10240x128xf32, #tpu.memory_space<vmem_shared>> -> memref<128x128xf32, #tpu.memory_space<vmem_shared>>
      %dma_start3A_51 = arith.constant 0 : i32
      %dma_start3A_52 = tpu.memref_slice %arg10[%add3A_16, %dma_start3A_51] : memref<10240x128xf32, #tpu.memory_space<vmem_shared>> -> memref<128x128xf32, #tpu.memory_space<vmem_shared>>
      tpu.enqueue_dma source(%arg8 : memref<128x128xf32, #tpu.memory_space<vmem>>) target(%dma_start3A_52 : memref<128x128xf32, #tpu.memory_space<vmem_shared>>) target_semaphore(%run_scoped3A_48 : memref<!tpu.dma_semaphore, #tpu.memory_space<semaphore_mem>>)
      %dma_wait3A = arith.constant 0 : i32
      %dma_wait3A_53 = tpu.memref_slice %arg10[%add3A_16, %dma_wait3A] : memref<10240x128xf32, #tpu.memory_space<vmem_shared>> -> memref<128x128xf32, #tpu.memory_space<vmem_shared>>
      %dma_wait3A_54 = arith.constant 0 : i32
      %dma_wait3A_55 = tpu.memref_slice %arg10[%add3A_16, %dma_wait3A_54] : memref<10240x128xf32, #tpu.memory_space<vmem_shared>> -> memref<128x128xf32, #tpu.memory_space<vmem_shared>>
      tpu.wait_dma2 semaphore(%run_scoped3A_48 : memref<!tpu.dma_semaphore, #tpu.memory_space<semaphore_mem>>) src(%arg8 : memref<128x128xf32, #tpu.memory_space<vmem>>) dst(%dma_wait3A_55 : memref<128x128xf32, #tpu.memory_space<vmem_shared>>)
      tpu.yield
    }) : () -> ()
    %add3A_17 = arith.constant 512 : i32
    %add3A_18 = arith.addi %mul3A_2, %add3A_17 : i32
    "tpu.region"() ({
      %run_scoped3A_48 = tpu.sem_alloc : memref<!tpu.dma_semaphore, #tpu.memory_space<semaphore_mem>>
      %dma_start3A_49 = arith.constant 0 : i32
      %dma_start3A_50 = tpu.memref_slice %arg10[%add3A_18, %dma_start3A_49] : memref<10240x128xf32, #tpu.memory_space<vmem_shared>> -> memref<128x128xf32, #tpu.memory_space<vmem_shared>>
      %dma_start3A_51 = arith.constant 0 : i32
      %dma_start3A_52 = tpu.memref_slice %arg10[%add3A_18, %dma_start3A_51] : memref<10240x128xf32, #tpu.memory_space<vmem_shared>> -> memref<128x128xf32, #tpu.memory_space<vmem_shared>>
      tpu.enqueue_dma source(%arg8 : memref<128x128xf32, #tpu.memory_space<vmem>>) target(%dma_start3A_52 : memref<128x128xf32, #tpu.memory_space<vmem_shared>>) target_semaphore(%run_scoped3A_48 : memref<!tpu.dma_semaphore, #tpu.memory_space<semaphore_mem>>)
      %dma_wait3A = arith.constant 0 : i32
      %dma_wait3A_53 = tpu.memref_slice %arg10[%add3A_18, %dma_wait3A] : memref<10240x128xf32, #tpu.memory_space<vmem_shared>> -> memref<128x128xf32, #tpu.memory_space<vmem_shared>>
      %dma_wait3A_54 = arith.constant 0 : i32
      %dma_wait3A_55 = tpu.memref_slice %arg10[%add3A_18, %dma_wait3A_54] : memref<10240x128xf32, #tpu.memory_space<vmem_shared>> -> memref<128x128xf32, #tpu.memory_space<vmem_shared>>
      tpu.wait_dma2 semaphore(%run_scoped3A_48 : memref<!tpu.dma_semaphore, #tpu.memory_space<semaphore_mem>>) src(%arg8 : memref<128x128xf32, #tpu.memory_space<vmem>>) dst(%dma_wait3A_55 : memref<128x128xf32, #tpu.memory_space<vmem_shared>>)
      tpu.yield
    }) : () -> ()
    %barrier3A = arith.constant 0 : index
    tpu.barrier barrier_id(%barrier3A)
    %run_scoped3A = arith.constant 0 : i32
    "tpu.region"() ({
      %run_scoped3A_48 = tpu.sem_alloc : memref<!tpu.dma_semaphore, #tpu.memory_space<semaphore_mem>>
      %dma_start3A_49 = arith.constant 0 : i32
      %dma_start3A_50 = arith.constant 0 : i32
      %dma_start3A_51 = tpu.memref_slice %arg3[%add3A, %run_scoped3A, %dma_start3A_49, %dma_start3A_50] : memref<32x2x40x128xi32, #tpu.memory_space<hbm>> -> memref<1x1x40x128xi32, #tpu.memory_space<hbm>>
      %dma_start3A_52 = tpu.memref_squeeze %dma_start3A_51 : memref<1x1x40x128xi32, #tpu.memory_space<hbm>> -> memref<40x128xi32, #tpu.memory_space<hbm>>
      %dma_start3A_53 = arith.constant 0 : i32
      %dma_start3A_54 = arith.constant 0 : i32
      %dma_start3A_55 = tpu.memref_slice %arg3[%add3A, %run_scoped3A, %dma_start3A_53, %dma_start3A_54] : memref<32x2x40x128xi32, #tpu.memory_space<hbm>> -> memref<1x1x40x128xi32, #tpu.memory_space<hbm>>
      %dma_start3A_56 = tpu.memref_squeeze %dma_start3A_55 : memref<1x1x40x128xi32, #tpu.memory_space<hbm>> -> memref<40x128xi32, #tpu.memory_space<hbm>>
      tpu.enqueue_dma source(%dma_start3A_56 : memref<40x128xi32, #tpu.memory_space<hbm>>) target(%arg6 : memref<40x128xi32, #tpu.memory_space<vmem>>) target_semaphore(%run_scoped3A_48 : memref<!tpu.dma_semaphore, #tpu.memory_space<semaphore_mem>>)
      %dma_wait3A = arith.constant 0 : i32
      %dma_wait3A_57 = arith.constant 0 : i32
      %dma_wait3A_58 = tpu.memref_slice %arg3[%add3A, %run_scoped3A, %dma_wait3A, %dma_wait3A_57] : memref<32x2x40x128xi32, #tpu.memory_space<hbm>> -> memref<1x1x40x128xi32, #tpu.memory_space<hbm>>
      %dma_wait3A_59 = tpu.memref_squeeze %dma_wait3A_58 : memref<1x1x40x128xi32, #tpu.memory_space<hbm>> -> memref<40x128xi32, #tpu.memory_space<hbm>>
      %dma_wait3A_60 = arith.constant 0 : i32
      %dma_wait3A_61 = arith.constant 0 : i32
      %dma_wait3A_62 = tpu.memref_slice %arg3[%add3A, %run_scoped3A, %dma_wait3A_60, %dma_wait3A_61] : memref<32x2x40x128xi32, #tpu.memory_space<hbm>> -> memref<1x1x40x128xi32, #tpu.memory_space<hbm>>
      %dma_wait3A_63 = tpu.memref_squeeze %dma_wait3A_62 : memref<1x1x40x128xi32, #tpu.memory_space<hbm>> -> memref<40x128xi32, #tpu.memory_space<hbm>>
      tpu.wait_dma2 semaphore(%run_scoped3A_48 : memref<!tpu.dma_semaphore, #tpu.memory_space<semaphore_mem>>) src(%dma_wait3A_63 : memref<40x128xi32, #tpu.memory_space<hbm>>) dst(%arg6 : memref<40x128xi32, #tpu.memory_space<vmem>>)
      tpu.yield
    }) : () -> ()
    %run_scoped3A_19 = arith.constant 0 : i32
    "tpu.region"() ({
      %run_scoped3A_48 = tpu.sem_alloc : memref<!tpu.dma_semaphore, #tpu.memory_space<semaphore_mem>>
      %dma_start3A_49 = arith.constant 0 : i32
      %dma_start3A_50 = arith.constant 0 : i32
      %dma_start3A_51 = tpu.memref_slice %arg4[%add3A, %run_scoped3A_19, %dma_start3A_49, %dma_start3A_50] : memref<32x2x40x128xi32, #tpu.memory_space<hbm>> -> memref<1x1x40x128xi32, #tpu.memory_space<hbm>>
      %dma_start3A_52 = tpu.memref_squeeze %dma_start3A_51 : memref<1x1x40x128xi32, #tpu.memory_space<hbm>> -> memref<40x128xi32, #tpu.memory_space<hbm>>
      %dma_start3A_53 = arith.constant 0 : i32
      %dma_start3A_54 = arith.constant 0 : i32
      %dma_start3A_55 = tpu.memref_slice %arg4[%add3A, %run_scoped3A_19, %dma_start3A_53, %dma_start3A_54] : memref<32x2x40x128xi32, #tpu.memory_space<hbm>> -> memref<1x1x40x128xi32, #tpu.memory_space<hbm>>
      %dma_start3A_56 = tpu.memref_squeeze %dma_start3A_55 : memref<1x1x40x128xi32, #tpu.memory_space<hbm>> -> memref<40x128xi32, #tpu.memory_space<hbm>>
      tpu.enqueue_dma source(%dma_start3A_56 : memref<40x128xi32, #tpu.memory_space<hbm>>) target(%arg7 : memref<40x128xi32, #tpu.memory_space<vmem>>) target_semaphore(%run_scoped3A_48 : memref<!tpu.dma_semaphore, #tpu.memory_space<semaphore_mem>>)
      %dma_wait3A = arith.constant 0 : i32
      %dma_wait3A_57 = arith.constant 0 : i32
      %dma_wait3A_58 = tpu.memref_slice %arg4[%add3A, %run_scoped3A_19, %dma_wait3A, %dma_wait3A_57] : memref<32x2x40x128xi32, #tpu.memory_space<hbm>> -> memref<1x1x40x128xi32, #tpu.memory_space<hbm>>
      %dma_wait3A_59 = tpu.memref_squeeze %dma_wait3A_58 : memref<1x1x40x128xi32, #tpu.memory_space<hbm>> -> memref<40x128xi32, #tpu.memory_space<hbm>>
      %dma_wait3A_60 = arith.constant 0 : i32
      %dma_wait3A_61 = arith.constant 0 : i32
      %dma_wait3A_62 = tpu.memref_slice %arg4[%add3A, %run_scoped3A_19, %dma_wait3A_60, %dma_wait3A_61] : memref<32x2x40x128xi32, #tpu.memory_space<hbm>> -> memref<1x1x40x128xi32, #tpu.memory_space<hbm>>
      %dma_wait3A_63 = tpu.memref_squeeze %dma_wait3A_62 : memref<1x1x40x128xi32, #tpu.memory_space<hbm>> -> memref<40x128xi32, #tpu.memory_space<hbm>>
      tpu.wait_dma2 semaphore(%run_scoped3A_48 : memref<!tpu.dma_semaphore, #tpu.memory_space<semaphore_mem>>) src(%dma_wait3A_63 : memref<40x128xi32, #tpu.memory_space<hbm>>) dst(%arg7 : memref<40x128xi32, #tpu.memory_space<vmem>>)
      tpu.yield
    }) : () -> ()
    %dma_start3A = arith.constant 0 : i32
    %dma_start3A_20 = arith.constant 0 : i32
    %dma_start3A_21 = tpu.memref_slice %arg6[%dma_start3A, %dma_start3A_20] : memref<40x128xi32, #tpu.memory_space<vmem>> -> memref<1x128xi32, #tpu.memory_space<vmem>>
    %dma_start3A_22 = tpu.memref_squeeze %dma_start3A_21 : memref<1x128xi32, #tpu.memory_space<vmem>> -> memref<128xi32, #tpu.memory_space<vmem>>
    %dma_start3A_23 = arith.constant 0 : i32
    %dma_start3A_24 = arith.constant 0 : i32
    %dma_start3A_25 = tpu.memref_slice %arg2[%dma_start3A_23, %dma_start3A_24] : memref<10000x128xf32, #tpu.memory_space<hbm>> -> memref<10000x128xf32, #tpu.memory_space<hbm>>
    tpu.enqueue_indirect_dma source(%dma_start3A_25 : memref<10000x128xf32, #tpu.memory_space<hbm>>) target(%arg8 : memref<128x128xf32, #tpu.memory_space<vmem>>) offsets(%dma_start3A_22 : memref<128xi32, #tpu.memory_space<vmem>>) semaphore(%arg11 : memref<!tpu.dma_semaphore, #tpu.memory_space<semaphore_mem>>)
    %scan3A_26 = arith.constant 0 : i32
    %scan3A_27 = arith.constant 0 : i32
    %scan3A_28 = arith.constant 20 : i32
    %scan3A_29 = arith.addi %scan3A_27, %scan3A_28 : i32
    %scan3A_30 = arith.constant 1 : i32
    scf.for %scan3A_48 = %scan3A_27 to %scan3A_29 step %scan3A_30  : i32 {
      %mul3A_49 = arith.constant 2 : i32
      %mul3A_50 = arith.muli %mul3A_49, %scan3A_48 : i32
      %mul3A_51 = arith.constant 2 : i32
      %mul3A_52 = arith.muli %mul3A_51, %scan3A_48 : i32
      %add3A_53 = arith.constant 1 : i32
      %add3A_54 = arith.addi %mul3A_52, %add3A_53 : i32
      %dma_start3A_55 = arith.constant 0 : i32
      %dma_start3A_56 = tpu.memref_slice %arg6[%add3A_54, %dma_start3A_55] : memref<40x128xi32, #tpu.memory_space<vmem>> -> memref<1x128xi32, #tpu.memory_space<vmem>>
      %dma_start3A_57 = tpu.memref_squeeze %dma_start3A_56 : memref<1x128xi32, #tpu.memory_space<vmem>> -> memref<128xi32, #tpu.memory_space<vmem>>
      %dma_start3A_58 = arith.constant 0 : i32
      %dma_start3A_59 = arith.constant 0 : i32
      %dma_start3A_60 = tpu.memref_slice %arg2[%dma_start3A_58, %dma_start3A_59] : memref<10000x128xf32, #tpu.memory_space<hbm>> -> memref<10000x128xf32, #tpu.memory_space<hbm>>
      tpu.enqueue_indirect_dma source(%dma_start3A_60 : memref<10000x128xf32, #tpu.memory_space<hbm>>) target(%arg9 : memref<128x128xf32, #tpu.memory_space<vmem>>) offsets(%dma_start3A_57 : memref<128xi32, #tpu.memory_space<vmem>>) semaphore(%arg12 : memref<!tpu.dma_semaphore, #tpu.memory_space<semaphore_mem>>)
      %dma_wait3A = arith.constant 0 : i32
      %dma_wait3A_61 = tpu.memref_slice %arg6[%mul3A_50, %dma_wait3A] : memref<40x128xi32, #tpu.memory_space<vmem>> -> memref<1x128xi32, #tpu.memory_space<vmem>>
      %dma_wait3A_62 = tpu.memref_squeeze %dma_wait3A_61 : memref<1x128xi32, #tpu.memory_space<vmem>> -> memref<128xi32, #tpu.memory_space<vmem>>
      %dma_wait3A_63 = arith.constant 0 : i32
      %dma_wait3A_64 = arith.constant 0 : i32
      %dma_wait3A_65 = tpu.memref_slice %arg2[%dma_wait3A_63, %dma_wait3A_64] : memref<10000x128xf32, #tpu.memory_space<hbm>> -> memref<10000x128xf32, #tpu.memory_space<hbm>>
      tpu.wait_indirect_dma semaphore(%arg11 : memref<!tpu.dma_semaphore, #tpu.memory_space<semaphore_mem>>) src(%dma_wait3A_65 : memref<10000x128xf32, #tpu.memory_space<hbm>>) dst(%arg8 : memref<128x128xf32, #tpu.memory_space<vmem>>)
      "tpu.region"() ({
        %run_scoped3A_76 = tpu.sem_alloc : memref<!tpu.dma_semaphore, #tpu.memory_space<semaphore_mem>>
        %dma_start3A_77 = arith.constant 0 : i32
        %dma_start3A_78 = tpu.memref_slice %arg7[%mul3A_50, %dma_start3A_77] : memref<40x128xi32, #tpu.memory_space<vmem>> -> memref<1x128xi32, #tpu.memory_space<vmem>>
        %dma_start3A_79 = tpu.memref_squeeze %dma_start3A_78 : memref<1x128xi32, #tpu.memory_space<vmem>> -> memref<128xi32, #tpu.memory_space<vmem>>
        %dma_start3A_80 = arith.constant 0 : i32
        %dma_start3A_81 = arith.constant 0 : i32
        %dma_start3A_82 = tpu.memref_slice %arg10[%dma_start3A_80, %dma_start3A_81] : memref<10240x128xf32, #tpu.memory_space<vmem_shared>> -> memref<10240x128xf32, #tpu.memory_space<vmem_shared>>
        tpu.enqueue_indirect_dma source(%arg8 : memref<128x128xf32, #tpu.memory_space<vmem>>) target(%dma_start3A_82 : memref<10240x128xf32, #tpu.memory_space<vmem_shared>>) offsets(%dma_start3A_79 : memref<128xi32, #tpu.memory_space<vmem>>) semaphore(%run_scoped3A_76 : memref<!tpu.dma_semaphore, #tpu.memory_space<semaphore_mem>>) {add = true}
        %dma_wait3A_83 = arith.constant 0 : i32
        %dma_wait3A_84 = tpu.memref_slice %arg7[%mul3A_50, %dma_wait3A_83] : memref<40x128xi32, #tpu.memory_space<vmem>> -> memref<1x128xi32, #tpu.memory_space<vmem>>
        %dma_wait3A_85 = tpu.memref_squeeze %dma_wait3A_84 : memref<1x128xi32, #tpu.memory_space<vmem>> -> memref<128xi32, #tpu.memory_space<vmem>>
        %dma_wait3A_86 = arith.constant 0 : i32
        %dma_wait3A_87 = arith.constant 0 : i32
        %dma_wait3A_88 = tpu.memref_slice %arg10[%dma_wait3A_86, %dma_wait3A_87] : memref<10240x128xf32, #tpu.memory_space<vmem_shared>> -> memref<10240x128xf32, #tpu.memory_space<vmem_shared>>
        tpu.wait_indirect_dma semaphore(%run_scoped3A_76 : memref<!tpu.dma_semaphore, #tpu.memory_space<semaphore_mem>>) src(%arg8 : memref<128x128xf32, #tpu.memory_space<vmem>>) dst(%dma_wait3A_88 : memref<10240x128xf32, #tpu.memory_space<vmem_shared>>)
        tpu.yield
      }) : () -> ()
      %add3A_66 = arith.constant 1 : i32
      %add3A_67 = arith.addi %add3A_54, %add3A_66 : i32
      %lt3A = arith.constant 40 : i32
      %lt3A_68 = arith.cmpi slt, %add3A_67, %lt3A : i32
      %convert_element_type3A = arith.extui %lt3A_68 : i1 to i32
      %cond3A = arith.constant 0 : i32
      %cond3A_69 = arith.cmpi ne, %convert_element_type3A, %cond3A : i32
      scf.if %cond3A_69 {
        %add3A_76 = arith.constant 1 : i32
        %add3A_77 = arith.addi %add3A_54, %add3A_76 : i32
        %dma_start3A_78 = arith.constant 0 : i32
        %dma_start3A_79 = tpu.memref_slice %arg6[%add3A_77, %dma_start3A_78] : memref<40x128xi32, #tpu.memory_space<vmem>> -> memref<1x128xi32, #tpu.memory_space<vmem>>
        %dma_start3A_80 = tpu.memref_squeeze %dma_start3A_79 : memref<1x128xi32, #tpu.memory_space<vmem>> -> memref<128xi32, #tpu.memory_space<vmem>>
        %dma_start3A_81 = arith.constant 0 : i32
        %dma_start3A_82 = arith.constant 0 : i32
        %dma_start3A_83 = tpu.memref_slice %arg2[%dma_start3A_81, %dma_start3A_82] : memref<10000x128xf32, #tpu.memory_space<hbm>> -> memref<10000x128xf32, #tpu.memory_space<hbm>>
        tpu.enqueue_indirect_dma source(%dma_start3A_83 : memref<10000x128xf32, #tpu.memory_space<hbm>>) target(%arg8 : memref<128x128xf32, #tpu.memory_space<vmem>>) offsets(%dma_start3A_80 : memref<128xi32, #tpu.memory_space<vmem>>) semaphore(%arg11 : memref<!tpu.dma_semaphore, #tpu.memory_space<semaphore_mem>>)
      } else {
      }
      %dma_wait3A_70 = arith.constant 0 : i32
      %dma_wait3A_71 = tpu.memref_slice %arg6[%add3A_54, %dma_wait3A_70] : memref<40x128xi32, #tpu.memory_space<vmem>> -> memref<1x128xi32, #tpu.memory_space<vmem>>
      %dma_wait3A_72 = tpu.memref_squeeze %dma_wait3A_71 : memref<1x128xi32, #tpu.memory_space<vmem>> -> memref<128xi32, #tpu.memory_space<vmem>>
      %dma_wait3A_73 = arith.constant 0 : i32
      %dma_wait3A_74 = arith.constant 0 : i32
      %dma_wait3A_75 = tpu.memref_slice %arg2[%dma_wait3A_73, %dma_wait3A_74] : memref<10000x128xf32, #tpu.memory_space<hbm>> -> memref<10000x128xf32, #tpu.memory_space<hbm>>
      tpu.wait_indirect_dma semaphore(%arg12 : memref<!tpu.dma_semaphore, #tpu.memory_space<semaphore_mem>>) src(%dma_wait3A_75 : memref<10000x128xf32, #tpu.memory_space<hbm>>) dst(%arg9 : memref<128x128xf32, #tpu.memory_space<vmem>>)
      "tpu.region"() ({
        %run_scoped3A_76 = tpu.sem_alloc : memref<!tpu.dma_semaphore, #tpu.memory_space<semaphore_mem>>
        %dma_start3A_77 = arith.constant 0 : i32
        %dma_start3A_78 = tpu.memref_slice %arg7[%add3A_54, %dma_start3A_77] : memref<40x128xi32, #tpu.memory_space<vmem>> -> memref<1x128xi32, #tpu.memory_space<vmem>>
        %dma_start3A_79 = tpu.memref_squeeze %dma_start3A_78 : memref<1x128xi32, #tpu.memory_space<vmem>> -> memref<128xi32, #tpu.memory_space<vmem>>
        %dma_start3A_80 = arith.constant 0 : i32
        %dma_start3A_81 = arith.constant 0 : i32
        %dma_start3A_82 = tpu.memref_slice %arg10[%dma_start3A_80, %dma_start3A_81] : memref<10240x128xf32, #tpu.memory_space<vmem_shared>> -> memref<10240x128xf32, #tpu.memory_space<vmem_shared>>
        tpu.enqueue_indirect_dma source(%arg9 : memref<128x128xf32, #tpu.memory_space<vmem>>) target(%dma_start3A_82 : memref<10240x128xf32, #tpu.memory_space<vmem_shared>>) offsets(%dma_start3A_79 : memref<128xi32, #tpu.memory_space<vmem>>) semaphore(%run_scoped3A_76 : memref<!tpu.dma_semaphore, #tpu.memory_space<semaphore_mem>>) {add = true}
        %dma_wait3A_83 = arith.constant 0 : i32
        %dma_wait3A_84 = tpu.memref_slice %arg7[%add3A_54, %dma_wait3A_83] : memref<40x128xi32, #tpu.memory_space<vmem>> -> memref<1x128xi32, #tpu.memory_space<vmem>>
        %dma_wait3A_85 = tpu.memref_squeeze %dma_wait3A_84 : memref<1x128xi32, #tpu.memory_space<vmem>> -> memref<128xi32, #tpu.memory_space<vmem>>
        %dma_wait3A_86 = arith.constant 0 : i32
        %dma_wait3A_87 = arith.constant 0 : i32
        %dma_wait3A_88 = tpu.memref_slice %arg10[%dma_wait3A_86, %dma_wait3A_87] : memref<10240x128xf32, #tpu.memory_space<vmem_shared>> -> memref<10240x128xf32, #tpu.memory_space<vmem_shared>>
        tpu.wait_indirect_dma semaphore(%run_scoped3A_76 : memref<!tpu.dma_semaphore, #tpu.memory_space<semaphore_mem>>) src(%arg9 : memref<128x128xf32, #tpu.memory_space<vmem>>) dst(%dma_wait3A_88 : memref<10240x128xf32, #tpu.memory_space<vmem_shared>>)
        tpu.yield
      }) : () -> ()
    }
    %scan3A_31 = arith.constant 20 : i32
    %run_scoped3A_32 = arith.constant 1 : i32
    "tpu.region"() ({
      %run_scoped3A_48 = tpu.sem_alloc : memref<!tpu.dma_semaphore, #tpu.memory_space<semaphore_mem>>
      %dma_start3A_49 = arith.constant 0 : i32
      %dma_start3A_50 = arith.constant 0 : i32
      %dma_start3A_51 = tpu.memref_slice %arg3[%add3A, %run_scoped3A_32, %dma_start3A_49, %dma_start3A_50] : memref<32x2x40x128xi32, #tpu.memory_space<hbm>> -> memref<1x1x40x128xi32, #tpu.memory_space<hbm>>
      %dma_start3A_52 = tpu.memref_squeeze %dma_start3A_51 : memref<1x1x40x128xi32, #tpu.memory_space<hbm>> -> memref<40x128xi32, #tpu.memory_space<hbm>>
      %dma_start3A_53 = arith.constant 0 : i32
      %dma_start3A_54 = arith.constant 0 : i32
      %dma_start3A_55 = tpu.memref_slice %arg3[%add3A, %run_scoped3A_32, %dma_start3A_53, %dma_start3A_54] : memref<32x2x40x128xi32, #tpu.memory_space<hbm>> -> memref<1x1x40x128xi32, #tpu.memory_space<hbm>>
      %dma_start3A_56 = tpu.memref_squeeze %dma_start3A_55 : memref<1x1x40x128xi32, #tpu.memory_space<hbm>> -> memref<40x128xi32, #tpu.memory_space<hbm>>
      tpu.enqueue_dma source(%dma_start3A_56 : memref<40x128xi32, #tpu.memory_space<hbm>>) target(%arg6 : memref<40x128xi32, #tpu.memory_space<vmem>>) target_semaphore(%run_scoped3A_48 : memref<!tpu.dma_semaphore, #tpu.memory_space<semaphore_mem>>)
      %dma_wait3A = arith.constant 0 : i32
      %dma_wait3A_57 = arith.constant 0 : i32
      %dma_wait3A_58 = tpu.memref_slice %arg3[%add3A, %run_scoped3A_32, %dma_wait3A, %dma_wait3A_57] : memref<32x2x40x128xi32, #tpu.memory_space<hbm>> -> memref<1x1x40x128xi32, #tpu.memory_space<hbm>>
      %dma_wait3A_59 = tpu.memref_squeeze %dma_wait3A_58 : memref<1x1x40x128xi32, #tpu.memory_space<hbm>> -> memref<40x128xi32, #tpu.memory_space<hbm>>
      %dma_wait3A_60 = arith.constant 0 : i32
      %dma_wait3A_61 = arith.constant 0 : i32
      %dma_wait3A_62 = tpu.memref_slice %arg3[%add3A, %run_scoped3A_32, %dma_wait3A_60, %dma_wait3A_61] : memref<32x2x40x128xi32, #tpu.memory_space<hbm>> -> memref<1x1x40x128xi32, #tpu.memory_space<hbm>>
      %dma_wait3A_63 = tpu.memref_squeeze %dma_wait3A_62 : memref<1x1x40x128xi32, #tpu.memory_space<hbm>> -> memref<40x128xi32, #tpu.memory_space<hbm>>
      tpu.wait_dma2 semaphore(%run_scoped3A_48 : memref<!tpu.dma_semaphore, #tpu.memory_space<semaphore_mem>>) src(%dma_wait3A_63 : memref<40x128xi32, #tpu.memory_space<hbm>>) dst(%arg6 : memref<40x128xi32, #tpu.memory_space<vmem>>)
      tpu.yield
    }) : () -> ()
    %run_scoped3A_33 = arith.constant 1 : i32
    "tpu.region"() ({
      %run_scoped3A_48 = tpu.sem_alloc : memref<!tpu.dma_semaphore, #tpu.memory_space<semaphore_mem>>
      %dma_start3A_49 = arith.constant 0 : i32
      %dma_start3A_50 = arith.constant 0 : i32
      %dma_start3A_51 = tpu.memref_slice %arg4[%add3A, %run_scoped3A_33, %dma_start3A_49, %dma_start3A_50] : memref<32x2x40x128xi32, #tpu.memory_space<hbm>> -> memref<1x1x40x128xi32, #tpu.memory_space<hbm>>
      %dma_start3A_52 = tpu.memref_squeeze %dma_start3A_51 : memref<1x1x40x128xi32, #tpu.memory_space<hbm>> -> memref<40x128xi32, #tpu.memory_space<hbm>>
      %dma_start3A_53 = arith.constant 0 : i32
      %dma_start3A_54 = arith.constant 0 : i32
      %dma_start3A_55 = tpu.memref_slice %arg4[%add3A, %run_scoped3A_33, %dma_start3A_53, %dma_start3A_54] : memref<32x2x40x128xi32, #tpu.memory_space<hbm>> -> memref<1x1x40x128xi32, #tpu.memory_space<hbm>>
      %dma_start3A_56 = tpu.memref_squeeze %dma_start3A_55 : memref<1x1x40x128xi32, #tpu.memory_space<hbm>> -> memref<40x128xi32, #tpu.memory_space<hbm>>
      tpu.enqueue_dma source(%dma_start3A_56 : memref<40x128xi32, #tpu.memory_space<hbm>>) target(%arg7 : memref<40x128xi32, #tpu.memory_space<vmem>>) target_semaphore(%run_scoped3A_48 : memref<!tpu.dma_semaphore, #tpu.memory_space<semaphore_mem>>)
      %dma_wait3A = arith.constant 0 : i32
      %dma_wait3A_57 = arith.constant 0 : i32
      %dma_wait3A_58 = tpu.memref_slice %arg4[%add3A, %run_scoped3A_33, %dma_wait3A, %dma_wait3A_57] : memref<32x2x40x128xi32, #tpu.memory_space<hbm>> -> memref<1x1x40x128xi32, #tpu.memory_space<hbm>>
      %dma_wait3A_59 = tpu.memref_squeeze %dma_wait3A_58 : memref<1x1x40x128xi32, #tpu.memory_space<hbm>> -> memref<40x128xi32, #tpu.memory_space<hbm>>
      %dma_wait3A_60 = arith.constant 0 : i32
      %dma_wait3A_61 = arith.constant 0 : i32
      %dma_wait3A_62 = tpu.memref_slice %arg4[%add3A, %run_scoped3A_33, %dma_wait3A_60, %dma_wait3A_61] : memref<32x2x40x128xi32, #tpu.memory_space<hbm>> -> memref<1x1x40x128xi32, #tpu.memory_space<hbm>>
      %dma_wait3A_63 = tpu.memref_squeeze %dma_wait3A_62 : memref<1x1x40x128xi32, #tpu.memory_space<hbm>> -> memref<40x128xi32, #tpu.memory_space<hbm>>
      tpu.wait_dma2 semaphore(%run_scoped3A_48 : memref<!tpu.dma_semaphore, #tpu.memory_space<semaphore_mem>>) src(%dma_wait3A_63 : memref<40x128xi32, #tpu.memory_space<hbm>>) dst(%arg7 : memref<40x128xi32, #tpu.memory_space<vmem>>)
      tpu.yield
    }) : () -> ()
    %dma_start3A_34 = arith.constant 0 : i32
    %dma_start3A_35 = arith.constant 0 : i32
    %dma_start3A_36 = tpu.memref_slice %arg6[%dma_start3A_34, %dma_start3A_35] : memref<40x128xi32, #tpu.memory_space<vmem>> -> memref<1x128xi32, #tpu.memory_space<vmem>>
    %dma_start3A_37 = tpu.memref_squeeze %dma_start3A_36 : memref<1x128xi32, #tpu.memory_space<vmem>> -> memref<128xi32, #tpu.memory_space<vmem>>
    %dma_start3A_38 = arith.constant 0 : i32
    %dma_start3A_39 = arith.constant 0 : i32
    %dma_start3A_40 = tpu.memref_slice %arg2[%dma_start3A_38, %dma_start3A_39] : memref<10000x128xf32, #tpu.memory_space<hbm>> -> memref<10000x128xf32, #tpu.memory_space<hbm>>
    tpu.enqueue_indirect_dma source(%dma_start3A_40 : memref<10000x128xf32, #tpu.memory_space<hbm>>) target(%arg8 : memref<128x128xf32, #tpu.memory_space<vmem>>) offsets(%dma_start3A_37 : memref<128xi32, #tpu.memory_space<vmem>>) semaphore(%arg11 : memref<!tpu.dma_semaphore, #tpu.memory_space<semaphore_mem>>)
    %scan3A_41 = arith.constant 0 : i32
    %scan3A_42 = arith.constant 0 : i32
    %scan3A_43 = arith.constant 20 : i32
    %scan3A_44 = arith.addi %scan3A_42, %scan3A_43 : i32
    %scan3A_45 = arith.constant 1 : i32
    scf.for %scan3A_48 = %scan3A_42 to %scan3A_44 step %scan3A_45  : i32 {
      %mul3A_49 = arith.constant 2 : i32
      %mul3A_50 = arith.muli %mul3A_49, %scan3A_48 : i32
      %mul3A_51 = arith.constant 2 : i32
      %mul3A_52 = arith.muli %mul3A_51, %scan3A_48 : i32
      %add3A_53 = arith.constant 1 : i32
      %add3A_54 = arith.addi %mul3A_52, %add3A_53 : i32
      %dma_start3A_55 = arith.constant 0 : i32
      %dma_start3A_56 = tpu.memref_slice %arg6[%add3A_54, %dma_start3A_55] : memref<40x128xi32, #tpu.memory_space<vmem>> -> memref<1x128xi32, #tpu.memory_space<vmem>>
      %dma_start3A_57 = tpu.memref_squeeze %dma_start3A_56 : memref<1x128xi32, #tpu.memory_space<vmem>> -> memref<128xi32, #tpu.memory_space<vmem>>
      %dma_start3A_58 = arith.constant 0 : i32
      %dma_start3A_59 = arith.constant 0 : i32
      %dma_start3A_60 = tpu.memref_slice %arg2[%dma_start3A_58, %dma_start3A_59] : memref<10000x128xf32, #tpu.memory_space<hbm>> -> memref<10000x128xf32, #tpu.memory_space<hbm>>
      tpu.enqueue_indirect_dma source(%dma_start3A_60 : memref<10000x128xf32, #tpu.memory_space<hbm>>) target(%arg9 : memref<128x128xf32, #tpu.memory_space<vmem>>) offsets(%dma_start3A_57 : memref<128xi32, #tpu.memory_space<vmem>>) semaphore(%arg12 : memref<!tpu.dma_semaphore, #tpu.memory_space<semaphore_mem>>)
      %dma_wait3A = arith.constant 0 : i32
      %dma_wait3A_61 = tpu.memref_slice %arg6[%mul3A_50, %dma_wait3A] : memref<40x128xi32, #tpu.memory_space<vmem>> -> memref<1x128xi32, #tpu.memory_space<vmem>>
      %dma_wait3A_62 = tpu.memref_squeeze %dma_wait3A_61 : memref<1x128xi32, #tpu.memory_space<vmem>> -> memref<128xi32, #tpu.memory_space<vmem>>
      %dma_wait3A_63 = arith.constant 0 : i32
      %dma_wait3A_64 = arith.constant 0 : i32
      %dma_wait3A_65 = tpu.memref_slice %arg2[%dma_wait3A_63, %dma_wait3A_64] : memref<10000x128xf32, #tpu.memory_space<hbm>> -> memref<10000x128xf32, #tpu.memory_space<hbm>>
      tpu.wait_indirect_dma semaphore(%arg11 : memref<!tpu.dma_semaphore, #tpu.memory_space<semaphore_mem>>) src(%dma_wait3A_65 : memref<10000x128xf32, #tpu.memory_space<hbm>>) dst(%arg8 : memref<128x128xf32, #tpu.memory_space<vmem>>)
      "tpu.region"() ({
        %run_scoped3A_76 = tpu.sem_alloc : memref<!tpu.dma_semaphore, #tpu.memory_space<semaphore_mem>>
        %dma_start3A_77 = arith.constant 0 : i32
        %dma_start3A_78 = tpu.memref_slice %arg7[%mul3A_50, %dma_start3A_77] : memref<40x128xi32, #tpu.memory_space<vmem>> -> memref<1x128xi32, #tpu.memory_space<vmem>>
        %dma_start3A_79 = tpu.memref_squeeze %dma_start3A_78 : memref<1x128xi32, #tpu.memory_space<vmem>> -> memref<128xi32, #tpu.memory_space<vmem>>
        %dma_start3A_80 = arith.constant 0 : i32
        %dma_start3A_81 = arith.constant 0 : i32
        %dma_start3A_82 = tpu.memref_slice %arg10[%dma_start3A_80, %dma_start3A_81] : memref<10240x128xf32, #tpu.memory_space<vmem_shared>> -> memref<10240x128xf32, #tpu.memory_space<vmem_shared>>
        tpu.enqueue_indirect_dma source(%arg8 : memref<128x128xf32, #tpu.memory_space<vmem>>) target(%dma_start3A_82 : memref<10240x128xf32, #tpu.memory_space<vmem_shared>>) offsets(%dma_start3A_79 : memref<128xi32, #tpu.memory_space<vmem>>) semaphore(%run_scoped3A_76 : memref<!tpu.dma_semaphore, #tpu.memory_space<semaphore_mem>>) {add = true}
        %dma_wait3A_83 = arith.constant 0 : i32
        %dma_wait3A_84 = tpu.memref_slice %arg7[%mul3A_50, %dma_wait3A_83] : memref<40x128xi32, #tpu.memory_space<vmem>> -> memref<1x128xi32, #tpu.memory_space<vmem>>
        %dma_wait3A_85 = tpu.memref_squeeze %dma_wait3A_84 : memref<1x128xi32, #tpu.memory_space<vmem>> -> memref<128xi32, #tpu.memory_space<vmem>>
        %dma_wait3A_86 = arith.constant 0 : i32
        %dma_wait3A_87 = arith.constant 0 : i32
        %dma_wait3A_88 = tpu.memref_slice %arg10[%dma_wait3A_86, %dma_wait3A_87] : memref<10240x128xf32, #tpu.memory_space<vmem_shared>> -> memref<10240x128xf32, #tpu.memory_space<vmem_shared>>
        tpu.wait_indirect_dma semaphore(%run_scoped3A_76 : memref<!tpu.dma_semaphore, #tpu.memory_space<semaphore_mem>>) src(%arg8 : memref<128x128xf32, #tpu.memory_space<vmem>>) dst(%dma_wait3A_88 : memref<10240x128xf32, #tpu.memory_space<vmem_shared>>)
        tpu.yield
      }) : () -> ()
      %add3A_66 = arith.constant 1 : i32
      %add3A_67 = arith.addi %add3A_54, %add3A_66 : i32
      %lt3A = arith.constant 40 : i32
      %lt3A_68 = arith.cmpi slt, %add3A_67, %lt3A : i32
      %convert_element_type3A = arith.extui %lt3A_68 : i1 to i32
      %cond3A = arith.constant 0 : i32
      %cond3A_69 = arith.cmpi ne, %convert_element_type3A, %cond3A : i32
      scf.if %cond3A_69 {
        %add3A_76 = arith.constant 1 : i32
        %add3A_77 = arith.addi %add3A_54, %add3A_76 : i32
        %dma_start3A_78 = arith.constant 0 : i32
        %dma_start3A_79 = tpu.memref_slice %arg6[%add3A_77, %dma_start3A_78] : memref<40x128xi32, #tpu.memory_space<vmem>> -> memref<1x128xi32, #tpu.memory_space<vmem>>
        %dma_start3A_80 = tpu.memref_squeeze %dma_start3A_79 : memref<1x128xi32, #tpu.memory_space<vmem>> -> memref<128xi32, #tpu.memory_space<vmem>>
        %dma_start3A_81 = arith.constant 0 : i32
        %dma_start3A_82 = arith.constant 0 : i32
        %dma_start3A_83 = tpu.memref_slice %arg2[%dma_start3A_81, %dma_start3A_82] : memref<10000x128xf32, #tpu.memory_space<hbm>> -> memref<10000x128xf32, #tpu.memory_space<hbm>>
        tpu.enqueue_indirect_dma source(%dma_start3A_83 : memref<10000x128xf32, #tpu.memory_space<hbm>>) target(%arg8 : memref<128x128xf32, #tpu.memory_space<vmem>>) offsets(%dma_start3A_80 : memref<128xi32, #tpu.memory_space<vmem>>) semaphore(%arg11 : memref<!tpu.dma_semaphore, #tpu.memory_space<semaphore_mem>>)
      } else {
      }
      %dma_wait3A_70 = arith.constant 0 : i32
      %dma_wait3A_71 = tpu.memref_slice %arg6[%add3A_54, %dma_wait3A_70] : memref<40x128xi32, #tpu.memory_space<vmem>> -> memref<1x128xi32, #tpu.memory_space<vmem>>
      %dma_wait3A_72 = tpu.memref_squeeze %dma_wait3A_71 : memref<1x128xi32, #tpu.memory_space<vmem>> -> memref<128xi32, #tpu.memory_space<vmem>>
      %dma_wait3A_73 = arith.constant 0 : i32
      %dma_wait3A_74 = arith.constant 0 : i32
      %dma_wait3A_75 = tpu.memref_slice %arg2[%dma_wait3A_73, %dma_wait3A_74] : memref<10000x128xf32, #tpu.memory_space<hbm>> -> memref<10000x128xf32, #tpu.memory_space<hbm>>
      tpu.wait_indirect_dma semaphore(%arg12 : memref<!tpu.dma_semaphore, #tpu.memory_space<semaphore_mem>>) src(%dma_wait3A_75 : memref<10000x128xf32, #tpu.memory_space<hbm>>) dst(%arg9 : memref<128x128xf32, #tpu.memory_space<vmem>>)
      "tpu.region"() ({
        %run_scoped3A_76 = tpu.sem_alloc : memref<!tpu.dma_semaphore, #tpu.memory_space<semaphore_mem>>
        %dma_start3A_77 = arith.constant 0 : i32
        %dma_start3A_78 = tpu.memref_slice %arg7[%add3A_54, %dma_start3A_77] : memref<40x128xi32, #tpu.memory_space<vmem>> -> memref<1x128xi32, #tpu.memory_space<vmem>>
        %dma_start3A_79 = tpu.memref_squeeze %dma_start3A_78 : memref<1x128xi32, #tpu.memory_space<vmem>> -> memref<128xi32, #tpu.memory_space<vmem>>
        %dma_start3A_80 = arith.constant 0 : i32
        %dma_start3A_81 = arith.constant 0 : i32
        %dma_start3A_82 = tpu.memref_slice %arg10[%dma_start3A_80, %dma_start3A_81] : memref<10240x128xf32, #tpu.memory_space<vmem_shared>> -> memref<10240x128xf32, #tpu.memory_space<vmem_shared>>
        tpu.enqueue_indirect_dma source(%arg9 : memref<128x128xf32, #tpu.memory_space<vmem>>) target(%dma_start3A_82 : memref<10240x128xf32, #tpu.memory_space<vmem_shared>>) offsets(%dma_start3A_79 : memref<128xi32, #tpu.memory_space<vmem>>) semaphore(%run_scoped3A_76 : memref<!tpu.dma_semaphore, #tpu.memory_space<semaphore_mem>>) {add = true}
        %dma_wait3A_83 = arith.constant 0 : i32
        %dma_wait3A_84 = tpu.memref_slice %arg7[%add3A_54, %dma_wait3A_83] : memref<40x128xi32, #tpu.memory_space<vmem>> -> memref<1x128xi32, #tpu.memory_space<vmem>>
        %dma_wait3A_85 = tpu.memref_squeeze %dma_wait3A_84 : memref<1x128xi32, #tpu.memory_space<vmem>> -> memref<128xi32, #tpu.memory_space<vmem>>
        %dma_wait3A_86 = arith.constant 0 : i32
        %dma_wait3A_87 = arith.constant 0 : i32
        %dma_wait3A_88 = tpu.memref_slice %arg10[%dma_wait3A_86, %dma_wait3A_87] : memref<10240x128xf32, #tpu.memory_space<vmem_shared>> -> memref<10240x128xf32, #tpu.memory_space<vmem_shared>>
        tpu.wait_indirect_dma semaphore(%run_scoped3A_76 : memref<!tpu.dma_semaphore, #tpu.memory_space<semaphore_mem>>) src(%arg9 : memref<128x128xf32, #tpu.memory_space<vmem>>) dst(%dma_wait3A_88 : memref<10240x128xf32, #tpu.memory_space<vmem_shared>>)
        tpu.yield
      }) : () -> ()
    }
    %scan3A_46 = arith.constant 20 : i32
    %barrier3A_47 = arith.constant 0 : index
    tpu.barrier barrier_id(%barrier3A_47)
    "tpu.region"() ({
      %run_scoped3A_48 = tpu.sem_alloc : memref<!tpu.dma_semaphore, #tpu.memory_space<semaphore_mem>>
      %dma_start3A_49 = arith.constant 0 : i32
      %dma_start3A_50 = tpu.memref_slice %arg5[%arg0, %mul3A_2, %dma_start3A_49] : memref<2x10240x128xf32, #tpu.memory_space<hbm>> -> memref<1x640x128xf32, #tpu.memory_space<hbm>>
      %dma_start3A_51 = tpu.memref_squeeze %dma_start3A_50 : memref<1x640x128xf32, #tpu.memory_space<hbm>> -> memref<640x128xf32, #tpu.memory_space<hbm>>
      %dma_start3A_52 = arith.constant 0 : i32
      %dma_start3A_53 = tpu.memref_slice %arg10[%mul3A_2, %dma_start3A_52] : memref<10240x128xf32, #tpu.memory_space<vmem_shared>> -> memref<640x128xf32, #tpu.memory_space<vmem_shared>>
      tpu.enqueue_dma source(%dma_start3A_53 : memref<640x128xf32, #tpu.memory_space<vmem_shared>>) target(%dma_start3A_51 : memref<640x128xf32, #tpu.memory_space<hbm>>) target_semaphore(%run_scoped3A_48 : memref<!tpu.dma_semaphore, #tpu.memory_space<semaphore_mem>>)
      %dma_wait3A = arith.constant 0 : i32
      %dma_wait3A_54 = tpu.memref_slice %arg5[%arg0, %mul3A_2, %dma_wait3A] : memref<2x10240x128xf32, #tpu.memory_space<hbm>> -> memref<1x640x128xf32, #tpu.memory_space<hbm>>
      %dma_wait3A_55 = tpu.memref_squeeze %dma_wait3A_54 : memref<1x640x128xf32, #tpu.memory_space<hbm>> -> memref<640x128xf32, #tpu.memory_space<hbm>>
      %dma_wait3A_56 = arith.constant 0 : i32
      %dma_wait3A_57 = tpu.memref_slice %arg10[%mul3A_2, %dma_wait3A_56] : memref<10240x128xf32, #tpu.memory_space<vmem_shared>> -> memref<640x128xf32, #tpu.memory_space<vmem_shared>>
      tpu.wait_dma2 semaphore(%run_scoped3A_48 : memref<!tpu.dma_semaphore, #tpu.memory_space<semaphore_mem>>) src(%dma_wait3A_57 : memref<640x128xf32, #tpu.memory_space<vmem_shared>>) dst(%dma_wait3A_55 : memref<640x128xf32, #tpu.memory_space<hbm>>)
      tpu.yield
    }) : () -> ()
    return
  }
}

module attributes {stable_mosaic.version = 14 : i64} {
  func.func @body(%arg0: i32, %arg1: memref<2x2000x128xf32, #tpu.memory_space<vmem>>, %arg2: memref<2000x128xf32, #tpu.memory_space<vmem>>) attributes {dimension_semantics = [#tpu.dimension_semantics<arbitrary>], iteration_bounds = array<i64: 5>, scalar_prefetch = 0 : i64, scratch_operands = 0 : i64, tpu.core_type = #tpu.core_type<tc>, window_params = [{transform_indices = @transform_0, window_bounds = array<i64: 2, 2000, 128>}, {transform_indices = @transform_1, window_bounds = array<i64: 2000, 128>}]} {
    %get3A = arith.constant 0 : index
    %get3A_0 = arith.constant 0 : index
    %get3A_1 = arith.constant 0 : index
    %get3A_2 = vector.load %arg1[%get3A, %get3A_0, %get3A_1] : memref<2x2000x128xf32, #tpu.memory_space<vmem>>, vector<1x2000x128xf32>
    %get3A_3 = vector.shape_cast %get3A_2 : vector<1x2000x128xf32> to vector<2000x128xf32>
    %get3A_4 = arith.constant 1 : index
    %get3A_5 = arith.constant 0 : index
    %get3A_6 = arith.constant 0 : index
    %get3A_7 = vector.load %arg1[%get3A_4, %get3A_5, %get3A_6] : memref<2x2000x128xf32, #tpu.memory_space<vmem>>, vector<1x2000x128xf32>
    %get3A_8 = vector.shape_cast %get3A_7 : vector<1x2000x128xf32> to vector<2000x128xf32>
    %add3A = arith.addf %get3A_3, %get3A_8 : vector<2000x128xf32>
    %swap3A = arith.constant 0 : index
    %swap3A_9 = arith.constant 0 : index
    %swap3A_10 = vector.load %arg2[%swap3A, %swap3A_9] : memref<2000x128xf32, #tpu.memory_space<vmem>>, vector<2000x128xf32>
    tpu.vector_store %arg2[%swap3A, %swap3A_9], %add3A {strides = array<i32>} : memref<2000x128xf32, #tpu.memory_space<vmem>>, vector<2000x128xf32>,
    return
  }
  func.func @transform_0(%arg0: i32) -> (i32, i32, i32) {
    %c0_i32 = arith.constant 0 : i32
    %c0_i32_0 = arith.constant 0 : i32
    %c0_i32_1 = arith.constant 0 : i32
    return %c0_i32, %arg0, %c0_i32_0 : i32, i32, i32
  }
  func.func @transform_1(%arg0: i32) -> (i32, i32) {
    %c0_i32 = arith.constant 0 : i32
    %c0_i32_0 = arith.constant 0 : i32
    return %arg0, %c0_i32 : i32, i32
  }
}

</mosaic_0001>

<sc_bundles>
// kernel: kernel.4.cloned.1.call-start
scs
__scs_entry_jumppad:
0x0: {  	(pc) =	sbr.rel $0x88, $3  }
0x1: {  	(tag) =	ssettag $0x0;
	lr =	simm.s32 $0x1  }
0x2: {  	[smem:$0x3F9F] =	sst lr;
	_ =	strace $0xD0000000  }
0x3: {  	_ = 	snop  }
0x4: {  	_ = 	snop  }
0x5: {  	_ = 	snop  }
0x6: {  	_ = 	snop  }
0x7: {  	_ = 	snop  }
__scs_overlays_trampoline_lowered:
0x8: {  	[smem:$0x3FAE] =	sst s0  }
0x9: {  	[smem:$0x3FAF] =	sst s1  }
0xa: {  	[smem:$0x3FB0] =	sst s2  }
0xb: {  	[smem:$0x3FB1] =	sst s3  }
0xc: {  	[smem:$0x3FB2] =	sst s4  }
0xd: {  	[smem:$0x3FB3] =	sst s5  }
0xe: {  	[smem:$0x3FB4] =	sst s6  }
0xf: {  	[smem:$0x3FB5] =	sst s7  }
0x10: {  	[smem:$0x3FB6] =	sst s8  }
0x11: {  	[smem:$0x3FB7] =	sst s9;
	s0 =	simm.s32 @!p0 $0x0  }
0x12: {  	s1 =	sld [smem:$0x3F9D];
	s0 =	simm.s32 @p0 $0x1  }
0x13: {  	[smem:$0x3FB8] =	sst s0;
	s0 =	simm.s32 @!p1 $0x0  }
0x14: {  	s2 =	sld [smem:$0x3F9C];
	s0 =	simm.s32 @p1 $0x1  }
0x15: {  	[smem:$0x3FB9] =	sst s0;
	s0 =	simm.s32 @!p2 $0x0  }
0x16: {  	s3 =	sld [smem:$0x3FDB];
	s0 =	simm.s32 @p2 $0x1  }
0x17: {  	s4 =	simm.s32 $0x1BF5;
	[smem:$0x3FBB] =	sst s0  }
0x18: {  	s0 =	sld [smem:$0x3F9E];
	_ =	swait.ge [sflag:s4], $0x0  }
0x19: {  	s7 =	sld [smem:$0x3F9F]  }
0x1a: {  	s8 =	sadd.s32 $0xFFFFE003, lr  }
0x1b: {  	s9 =	sadd.s32 $0xFFFFFEF7, lr;
	s5 =	simm.s32 $0xFFFFFFFF;
	p2 =	slt.u32 s8, $0xFFFFF086  }
0x1c: {  	p1 =	slt.u32 s9, $0xF7A;
	s5 =	simm.s32 @!p2 $0x0  }
0x1d: {  	s5 =	simm.s32 @p1 $0x1;
	p0 =	seq.s32 s7, s2  }
0x1e: {  	s7 =	smul.u32 @!p0 $0xF7A, s2;
	p2 =	seq.s32 @!p0 s5, $0x0  }
0x1f: {  	s9 =	smul.u32 $0xF7A, s1;
	s8 =	simm.s32 @!p0 $0x1BF5;
	p2 =	por !p2, p0  }
0x20: {  	[sflag:s8] =	ssyncset.s32 @!p0 $0xFFFFF086;
	s6 =	sadd.s32 @!p0 s3, s7;
	s7 =	simm.s32 @!p0 $0x108  }
0x21: {  	s3 =	sadd.s32 s3, s9;
	s6 =	sadd.s32 @!p0 $0x88, s6;
	s7 =	simm.s32 @p2 $0x1082  }
0x22: {  	[simem:s7], [sflag:s8] =	dma.local @!p0 [hbm:s6], $0xF7A  }
0x23: {  	s9 =	sor.u32 $0xD0000000, s2;
	s6 =	simm.s32 $0x108;
	_ =	swait.ge @!p0 [sflag:s8], $0x0  }
0x24: {  	s3 =	sadd.s32 $0x88, s3;
	s6 =	simm.s32 @!p1 $0x1082;
	[sflag:s4] =	ssyncset.s32 $0xFFFFF086  }
0x25: {  	[simem:s6], [sflag:s4] =	dma.local [hbm:s3], $0xF7A  }
0x26: {  	[smem:$0x3F9F] =	sst s1;
	(tag) =	ssettag s2;
	_ =	strace s9  }
0x27: {  	s1 =	sld [smem:$0x3FAF]  }
0x28: {  	s2 =	sld [smem:$0x3FB0]  }
0x29: {  	s4 =	sld [smem:$0x3FB2]  }
0x2a: {  	p0 =	seq.s32 s5, $0x0;
	s5 =	sld [smem:$0x3FB3]  }
0x2b: {  	s6 =	sld [smem:$0x3FB4]  }
0x2c: {  	s7 =	sld [smem:$0x3FB5]  }
0x2d: {  	s3 =	simm.s32 $0x108;
	s8 =	sld [smem:$0x3FB6]  }
0x2e: {  	s3 =	simm.s32 @!p0 $0x1082;
	s9 =	sld [smem:$0x3FB7]  }
0x2f: {  	lr =	sadd.s32 s0, s3;
	s0 =	sld [smem:$0x3FAE]  }
0x30: {  	s3 =	sld [smem:$0x3FB1]  }
0x31: {  	[smem:$0x3FBA] =	sst s10  }
0x32: {  	s10 =	sld [smem:$0x3FB8];
	_ =	sdelay $0x3  }
0x33: {  	p0 =	seq.s32 s10, $0x1;
	s10 =	sld [smem:$0x3FBA];
	_ =	sdelay $0x3  }
0x34: {  	[smem:$0x3FBA] =	sst s10  }
0x35: {  	s10 =	sld [smem:$0x3FB9];
	_ =	sdelay $0x3  }
0x36: {  	p1 =	seq.s32 s10, $0x1;
	s10 =	sld [smem:$0x3FBA];
	_ =	sdelay $0x3  }
0x37: {  	[smem:$0x3FBA] =	sst s10  }
0x38: {  	s10 =	sld [smem:$0x3FBB]  }
0x39: {  	_ = 	snop;
	(pc) =	sbr.ind lr, $3  }
0x3a: {  	_ = 	snop  }
0x3b: {  	_ = 	snop  }
0x3c: {  	p2 =	seq.s32 s10, $0x1;
	s10 =	sld [smem:$0x3FBA]  }
0x3d: {  	_ =	shalt  }
0x3e: {  	_ =	shalt  }
0x3f: {  	_ =	shalt  }
0x40: {  	_ =	shalt  }
0x41: {  	_ =	shalt  }
0x42: {  	_ =	shalt  }
0x43: {  	_ =	shalt  }
0x44: {  	_ =	shalt  }
0x45: {  	_ =	shalt  }
0x46: {  	_ =	shalt  }
0x47: {  	_ =	shalt  }
0x48: {  	_ =	shalt  }
0x49: {  	_ =	shalt  }
0x4a: {  	_ =	shalt  }
0x4b: {  	_ =	shalt  }
0x4c: {  	_ =	shalt  }
0x4d: {  	_ =	shalt  }
0x4e: {  	_ =	shalt  }
0x4f: {  	_ =	shalt  }
0x50: {  	_ =	shalt  }
0x51: {  	_ =	shalt  }
0x52: {  	_ =	shalt  }
0x53: {  	_ =	shalt  }
0x54: {  	_ =	shalt  }
0x55: {  	_ =	shalt  }
0x56: {  	_ =	shalt  }
0x57: {  	_ =	shalt  }
0x58: {  	_ =	shalt  }
0x59: {  	_ =	shalt  }
0x5a: {  	_ =	shalt  }
0x5b: {  	_ =	shalt  }
0x5c: {  	_ =	shalt  }
0x5d: {  	_ =	shalt  }
0x5e: {  	_ =	shalt  }
0x5f: {  	_ =	shalt  }
0x60: {  	_ =	shalt  }
0x61: {  	_ =	shalt  }
0x62: {  	_ =	shalt  }
0x63: {  	_ =	shalt  }
0x64: {  	_ =	shalt  }
0x65: {  	_ =	shalt  }
0x66: {  	_ =	shalt  }
0x67: {  	_ =	shalt  }
0x68: {  	_ =	shalt  }
0x69: {  	_ =	shalt  }
0x6a: {  	_ =	shalt  }
0x6b: {  	_ =	shalt  }
0x6c: {  	_ =	shalt  }
0x6d: {  	_ =	shalt  }
0x6e: {  	_ =	shalt  }
0x6f: {  	_ =	shalt  }
0x70: {  	_ =	shalt  }
0x71: {  	_ =	shalt  }
0x72: {  	_ =	shalt  }
0x73: {  	_ =	shalt  }
0x74: {  	_ =	shalt  }
0x75: {  	_ =	shalt  }
0x76: {  	_ =	shalt  }
0x77: {  	_ =	shalt  }
0x78: {  	_ =	shalt  }
0x79: {  	_ =	shalt  }
0x7a: {  	_ =	shalt  }
0x7b: {  	_ =	shalt  }
0x7c: {  	_ =	shalt  }
0x7d: {  	_ =	shalt  }
0x7e: {  	_ =	shalt  }
0x7f: {  	_ =	shalt  }
0x80: {  	_ =	shalt  }
0x81: {  	_ =	shalt  }
0x82: {  	_ =	shalt  }
0x83: {  	_ =	shalt  }
0x84: {  	_ =	shalt  }
0x85: {  	_ =	shalt  }
0x86: {  	_ =	shalt  }
0x87: {  	_ =	shalt  }
.Lfunc_end0:
.L_simem_size_0:
called_computation_lowered:
.L_overlay_start_0:
0x88: {  	s2 =	sld [smem:$0x3FD9]  }
0x89: {  	s3 =	sld [smem:$0x3FFE];
	_ =	sdelay $0x1  }
0x8a: {  	s1 =	srdreg.scid  }
0x8b: {  	s0 =	sand.u32 $0x1, s1  }
0x8c: {  	s17 =	sshll.u32 s0, $0xA;
	s2 =	sadd.s32 s3, s2  }
0x8d: {  	s2 =	sadd.s32 s2, s17  }
0x8e: {  	[smem:$0x3FC6] =	sst s2  }
0x8f: {  	_ = 	snop  }
0x90: {  	s2 =	sld [smem:$0x3FC9]  }
0x91: {  	s18 =	sld [smem:$0x3FD0];
	(tm) =	ssettm $0x1  }
0x92: {  	s4 =	sld [smem:$0x3FFB];
	_ =	sdelay $0x3  }
0x93: {  	_ =	strace s4  }
0x94: {  	s4 =	sld [smem:$0x3FFC];
	_ =	sdelay $0x3  }
0x95: {  	_ =	strace s4  }
0x96: {  	s4 =	sld [smem:$0x3FFD];
	_ =	sdelay $0x3  }
0x97: {  	_ =	strace s4  }
0x98: {  	_ =	strace $0x8FFFFFFF  }
0x99: {  	s19 =	sld [smem:$0x3FDB];
	_ =	sdelay $0x1  }
0x9a: {  	s5 =	simm.s32 $_scs_section_size  }
0x9b: {  	s6 =	simm.s32 $_size__tile_overlayer_lowered;
	s7 =	simm.s32 $_tile_overlayer_lowered  }
0x9c: {  	s22 =	simm.s32 $0x1BFF;
	s21 =	sshll.u32 s7, $0x1;
	s4 =	sadd.s32 s5, s19  }
0x9d: {  	s8 =	simm.s32 $0x0;
	s20 =	sshll.u32 s6, $0x1;
	s6 =	sadd.s32 s21, s4  }
0x9e: {  	[timem:s8], [sflag:s22] =	dma.local [hbm:s6], s20  }
0x9f: {  	_ =	swait.ge [sflag:s22], s20  }
0xa0: {  	s5 =	ssub.s32 $0x0, s20;
	[sflag:s22] =	ssyncset.done $0x0  }
0xa1: {  	[sflag:s22] =	ssyncadd.s32 s5;
	_ =	sdelay $0x1  }
0xa2: {  	s23 =	simm.s32 $0x1B8B  }
0xa3: {  	_ =	swait.ge [sflag:s23], $0x1  }
0xa4: {  	[sflag:s23] =	ssyncset.done $0x0  }
0xa5: {  	s25 =	simm.s32 $0x1B8E;
	s24 =	sld [smem:$0x3FFE];
	[sflag:s23] =	ssyncadd.s32 $0xFFFFFFFF  }
0xa6: {  	s26 =	simm.s32 $execute0_lowered;
	[smem:$0x3FD2] =	sst s25  }
0xa7: {  	s6 =	sshll.u32 s26, $0x1;
	_ =	strace $0x80000046;
	[dreg:$0x1] =	wrdreg $0xFFFFFFFF  }
0xa8: {  	s28 =	simm.s32 $_size_execute0_lowered;
	s4 =	sadd.s32 s4, s6;
	[dreg:$0x0] =	wrdreg $0x0  }
0xa9: {  	s6 =	sshll.u32 s28, $0x1;
	[dreg:$0x2] =	wrdreg s4  }
0xaa: {  	[dreg:$0x3] =	wrdreg s6  }
0xab: {  	[dreg:$0x4] =	wrdreg $0xC0  }
0xac: {  	_ =	task [dreg:s8], $0x5FFFF  }
0xad: {  	[dreg:$0x1] =	wrdreg $0xFFFFFFFF  }
0xae: {  	[dreg:$0x0] =	wrdreg $0x60  }
0xaf: {  	[dreg:$0x2] =	wrdreg s2  }
0xb0: {  	[dreg:$0x3] =	wrdreg s18  }
0xb1: {  	[dreg:$0x4] =	wrdreg s24  }
0xb2: {  	[dreg:$0x5] =	wrdreg $0xA8000  }
0xb3: {  	[dreg:$0x6] =	wrdreg $0x9  }
0xb4: {  	_ =	task.clear_ibuf [dreg:s8], $0x7FFFF;
	_ =	strace $0x90000046  }
0xb5: {  	s29 =	simm.s32 $0x9;
	_ =	strace $0x80000048  }
0xb6: {  	_ =	swait.ge [sflag:s29], $0x1  }
0xb7: {  	[sflag:s29] =	ssyncadd.s32 $0xFFFFFFFF  }
0xb8: {  	_ =	strace $0x90000048  }
0xb9: {  	_ =	sfence  }
0xba: {  	s30 =	sld [smem:$0x0];
	_ =	sdelay $0x2  }
0xbb: {  	s31 =	sshll.u32 s1, $0xD;
	s1 =	sshrl.u32 s1, $0x2  }
0xbc: {  	s3 =	sand.u32 $0x4000, s31;
	s1 =	sadd.s32 s1, s30  }
0xbd: {  	s0 =	sor.u32 s3, s0;
	s1 =	sshll.u32 s1, $0x11  }
0xbe: {  	s0 =	sor.u32 s1, s0  }
0xbf: {  	s0 =	sadd.s32 $0x8F2B, s0  }
0xc0: {  	[sflag:s0] =	ssyncadd.remote.s32 $0x1  }
0xc1: {  	_ =	sfence.sel $0xFFFF  }
0xc2: {  	[dreg:$0x0] =	wrdreg $0xFFFFFFFF;
	(pc) =	sbr.abs _section_cstart, $3  }
0xc3: {  	[dreg:$0x1] =	wrdreg $0xFFFFFFFF  }
0xc4: {  	_ =	task.clear_ibuf [dreg:s8], $0x2FFFF;
	_ =	strace $0x9FFFFFFF  }
0xc5: {  	(tm) =	ssettm $0x7FFFFFFF  }
tec
execute0_lowered:
.L_overlay_start_1:
0x0: {  	(tag) =	ssettag $0x1  }
0x1: {  	s0 =	rddreg [dreg:$0x0]  }
0x2: {  	s12 =	rddreg [dreg:$0x1]  }
0x3: {  	s13 =	rddreg [dreg:$0x2]  }
0x4: {  	s1 =	srdreg.scid;
	s3 =	rddreg [dreg:$0x3]  }
0x5: {  	s2 =	rddreg [dreg:$0x4];
	s4 =	simm.s32 $0x0;
	s17 =	simm.s32 $0x3  }
0x6: {  	s18 =	simm.s32 $0x1400;
	s19 =	simm.s32 $0x80;
	s20 =	simm.s32 $0x6800  }
0x7: {  	s21 =	simm.s32 $0x1;
	s22 =	simm.s32 $0x2;
	s5 =	sand.u32 $0x1, s1  }
0x8: {  	s23 =	simm.s32 $0x1380;
	s1 =	stileid.u32;
	s6 =	smul.u32 $0x140000, s5  }
0x9: {  	s24 =	simm.s32 $0x2700;
	s25 =	simm.s32 $0x2780;
	s7 =	smul.u32 $0x14000, s1  }
0xa: {  	[smem:$0x7FF] =	sst s4;
	s29 =	smul.u32 $0x50000, s1;
	s8 =	sshll.u32 s1, $0x1  }
0xb: {  	_ =	strace $0x80000047;
	s9 =	ssub.s32 $0x2, s5;
	s8 =	sor.u32 s5, s8  }
0xc: {  	s31 =	sshrl.u32 s9, $0x1;
	s6 =	sadd.s32 s7, s6;
	s30 =	sshrl.u32 s29, $0x2  }
0xd: {  	s10 =	smul.u32 $0x2800, s8;
	s15 =	ssub.s32 s9, s31;
	s6 =	sshrl.u32 s6, $0x3  }
0xe: {  	s5 =	sadd.s32 s30, s3;
	s15 =	smax.u32 s15, $0x1;
	s14 =	sadd.s32 s6, s13  }
0xf: {  	s6 =	sadd.s32 $0x4000, s5;
	s7 =	sadd.s32 $0x8000, s5;
	s11 =	sshrl.u32 s10, $0x3  }
0x10: {  	s8 =	sadd.s32 $0xC000, s5;
	s9 =	sadd.s32 $0x10000, s5;
	s10 =	sadd.s32 s12, s11  }
0x11: {  	s16 =	sadd.s32 $0x280, s11;
	s11 =	sadd.s32 s13, s11;
	s14 =	sadd.s32 $0xA000, s14  }
0x12: {  	v0 =	vimm.f32 $0.0e+00;
	s12 =	sadd.s32 s12, s16;
	s13 =	sadd.s32 s13, s16;
	s16 =	simm.s32 $0x2800  }
.LBB2_1:
0x13: {  	s26 =	simm.s32 $0x0;
	s28 =	simm.s32 $0x200  }
.LBB2_2:
0x14: {  	p0 =	sne.s32 s28, $0xFE00;
	[tilespmem:s26+$0x2870] =	vst v0  }
0x15: {  	[tilespmem:s26+$0x2800] =	vst v0  }
0x16: {  	[tilespmem:s26+$0x2810] =	vst v0  }
.Ltmp0:
0x17: {  	[tilespmem:s26+$0x2820] =	vst v0;
	(pc) =	sbr.rel @p0 .LBB2_2-.Ltmp0, $4  }
0x18: {  	[tilespmem:s26+$0x2830] =	vst v0  }
0x19: {  	[tilespmem:s26+$0x2840] =	vst v0  }
0x1a: {  	[tilespmem:s26+$0x2850] =	vst v0  }
0x1b: {  	[tilespmem:s26+$0x2860] =	vst v0;
	s26 =	sshra.s32 s28, $0x2;
	s28 =	sadd.s32 $0x200, s28  }
0x1c: {  	[tilespmem:s26+$0x2870] =	vst v0  }
0x1d: {  	[tilespmem:s26+$0x2800] =	vst v0  }
0x1e: {  	[tilespmem:s26+$0x2810] =	vst v0  }
0x1f: {  	[tilespmem:s26+$0x2820] =	vst v0  }
0x20: {  	[tilespmem:s26+$0x2830] =	vst v0  }
0x21: {  	[tilespmem:s26+$0x2840] =	vst v0  }
0x22: {  	[tilespmem:s26+$0x2850] =	vst v0  }
0x23: {  	[tilespmem:s26+$0x2860] =	vst v0  }
0x24: {  	[spmem:s5] =	stream.linear.scatter [tilespmem:s16], [sflag:$0x3], $0x4000, $0x38;
	[tilespmem:$0x1E800] =	vst v63  }
0x25: {  	_ =	swait.ge [sflag:s17], $0x4000  }
0x26: {  	[sflag:s17] =	ssyncset.done $0x0  }
0x27: {  	[sflag:s17] =	ssyncadd.s32 $0xFFFFC000  }
0x28: {  	[spmem:s6] =	stream.linear.scatter [tilespmem:s16], [sflag:$0x3], $0x4000, $0x38;
	[tilespmem:$0x1E800] =	vst v63  }
0x29: {  	_ =	swait.ge [sflag:s17], $0x4000  }
0x2a: {  	[sflag:s17] =	ssyncset.done $0x0  }
0x2b: {  	[sflag:s17] =	ssyncadd.s32 $0xFFFFC000  }
0x2c: {  	[spmem:s7] =	stream.linear.scatter [tilespmem:s16], [sflag:$0x3], $0x4000, $0x38;
	[tilespmem:$0x1E800] =	vst v63  }
0x2d: {  	_ =	swait.ge [sflag:s17], $0x4000  }
0x2e: {  	[sflag:s17] =	ssyncset.done $0x0  }
0x2f: {  	[sflag:s17] =	ssyncadd.s32 $0xFFFFC000  }
0x30: {  	[spmem:s8] =	stream.linear.scatter [tilespmem:s16], [sflag:$0x3], $0x4000, $0x38;
	[tilespmem:$0x1E800] =	vst v63  }
0x31: {  	_ =	swait.ge [sflag:s17], $0x4000  }
0x32: {  	[sflag:s17] =	ssyncset.done $0x0  }
0x33: {  	[sflag:s17] =	ssyncadd.s32 $0xFFFFC000  }
0x34: {  	[spmem:s9] =	stream.linear.scatter [tilespmem:s16], [sflag:$0x3], $0x4000, $0x38;
	[tilespmem:$0x1E800] =	vst v63  }
0x35: {  	_ =	swait.ge [sflag:s17], $0x4000  }
0x36: {  	[sflag:s17] =	ssyncset.done $0x0  }
0x37: {  	[sflag:s17] =	ssyncadd.s32 $0xFFFFC000  }
0x38: {  	s30 =	simm.s32 $0x0;
	[bflag:$0x0] =	sbarrier.arrive $0xFFFF  }
0x39: {  	[tilespmem:s30], [sflag:$0x3] =	stream.linear.gather [hbm4b:s10+s30], $0x1400, $0x38;
	[tilespmem:$0x1E800] =	vst v63  }
0x3a: {  	_ =	swait.ge [sflag:s17], $0x1400  }
0x3b: {  	[sflag:s17] =	ssyncset.done $0x0  }
0x3c: {  	[sflag:s17] =	ssyncadd.s32 $0xFFFFEC00  }
0x3d: {  	[tilespmem:s18], [sflag:$0x3] =	stream.linear.gather [hbm4b:s11+s30], $0x1400, $0x38;
	[tilespmem:$0x1E800] =	vst v63  }
0x3e: {  	_ =	swait.ge [sflag:s17], $0x1400  }
0x3f: {  	[sflag:s17] =	ssyncset.done $0x0  }
0x40: {  	[sflag:s17] =	ssyncadd.s32 $0xFFFFEC00  }
0x41: {  	[tilespmem:s16], [sflag:$0x1] =	stream.indirect.gather [hbm4b:s0+s19], $0x80, s30, s19, $0xb8;
	[tilespmem:$0x1E800] =	vst v63  }
0x42: {  	s31 =	simm.s32 $0x80  }
0x43: {  	[tilespmem:s20], [sflag:$0x2] =	stream.indirect.gather [hbm4b:s0+s19], $0x80, s31, s19, $0xb8;
	[tilespmem:$0x1E800] =	vst v63  }
0x44: {  	_ =	swait.ge [sflag:s21], $0x4000  }
0x45: {  	[sflag:s21] =	ssyncset.done $0x0  }
0x46: {  	s29 =	simm.s32 $0x1400;
	[sflag:s21] =	ssyncadd.s32 $0xFFFFC000  }
0x47: {  	[spmem:s3] =	stream.indirect.scatter.add.f32 [tilespmem:s16], [sflag:$0x3], $0x80, s29, s19, $0xb8;
	[tilespmem:$0x1E800] =	vst v63  }
0x48: {  	_ =	swait.ge [sflag:s17], $0x4000  }
0x49: {  	[sflag:s17] =	ssyncset.done $0x0  }
0x4a: {  	s30 =	simm.s32 $0x100;
	[sflag:s17] =	ssyncadd.s32 $0xFFFFC000  }
0x4b: {  	[tilespmem:s16], [sflag:$0x1] =	stream.indirect.gather [hbm4b:s0+s19], $0x80, s30, s19, $0xb8;
	[tilespmem:$0x1E800] =	vst v63  }
0x4c: {  	_ =	swait.ge [sflag:s22], $0x4000  }
0x4d: {  	[sflag:s22] =	ssyncset.done $0x0  }
0x4e: {  	s31 =	simm.s32 $0x1480;
	[sflag:s22] =	ssyncadd.s32 $0xFFFFC000  }
0x4f: {  	[spmem:s3] =	stream.indirect.scatter.add.f32 [tilespmem:s20], [sflag:$0x3], $0x80, s31, s19, $0xb8;
	[tilespmem:$0x1E800] =	vst v63  }
0x50: {  	_ =	swait.ge [sflag:s17], $0x4000  }
0x51: {  	s28 =	simm.s32 $0x800;
	s26 =	simm.s32 $0x100;
	[sflag:s17] =	ssyncset.done $0x0  }
.LBB2_4:
0x52: {  	s29 =	sadd.s32 $0x80, s26  }
0x53: {  	[sflag:s17] =	ssyncadd.s32 $0xFFFFC000;
	s30 =	smov.u32 s28;
	s31 =	sadd.s32 $0x400, s28  }
0x54: {  	[tilespmem:s20], [sflag:$0x2] =	stream.indirect.gather [hbm4b:s0+s19], $0x80, s29, s19, $0xb8;
	[tilespmem:$0x1E800] =	vst v63  }
0x55: {  	p0 =	sne.s32 s28, $0x4800;
	_ =	swait.ge [sflag:s21], $0x4000  }
0x56: {  	[sflag:s21] =	ssyncset.done $0x0  }
0x57: {  	s28 =	sadd.s32 $0x1400, s26;
	[sflag:s21] =	ssyncadd.s32 $0xFFFFC000  }
0x58: {  	[spmem:s3] =	stream.indirect.scatter.add.f32 [tilespmem:s16], [sflag:$0x3], $0x80, s28, s19, $0xb8;
	[tilespmem:$0x1E800] =	vst v63  }
0x59: {  	_ =	swait.ge [sflag:s17], $0x4000  }
0x5a: {  	[sflag:s17] =	ssyncset.done $0x0  }
0x5b: {  	s28 =	sadd.s32 $0x100, s26;
	[sflag:s17] =	ssyncadd.s32 $0xFFFFC000  }
0x5c: {  	[tilespmem:s16], [sflag:$0x1] =	stream.indirect.gather [hbm4b:s0+s19], $0x80, s28, s19, $0xb8;
	[tilespmem:$0x1E800] =	vst v63  }
0x5d: {  	_ =	swait.ge [sflag:s22], $0x4000  }
.Ltmp1:
0x5e: {  	[sflag:s22] =	ssyncset.done $0x0;
	(pc) =	sbr.rel @p0 .LBB2_4-.Ltmp1, $4  }
0x5f: {  	s26 =	sadd.s32 $0x1480, s26;
	[sflag:s22] =	ssyncadd.s32 $0xFFFFC000  }
0x60: {  	[spmem:s3] =	stream.indirect.scatter.add.f32 [tilespmem:s20], [sflag:$0x3], $0x80, s26, s19, $0xb8;
	[tilespmem:$0x1E800] =	vst v63  }
0x61: {  	_ =	swait.ge [sflag:s17], $0x4000  }
0x62: {  	s28 =	smov.u32 s31;
	s26 =	sshra.s32 s30, $0x2;
	[sflag:s17] =	ssyncset.done $0x0  }
0x63: {  	s28 =	sadd.s32 $0x80, s26;
	[sflag:s17] =	ssyncadd.s32 $0xFFFFC000  }
0x64: {  	[tilespmem:s20], [sflag:$0x2] =	stream.indirect.gather [hbm4b:s0+s19], $0x80, s28, s19, $0xb8;
	[tilespmem:$0x1E800] =	vst v63  }
0x65: {  	_ =	swait.ge [sflag:s21], $0x4000  }
0x66: {  	[sflag:s21] =	ssyncset.done $0x0  }
0x67: {  	s28 =	sadd.s32 $0x1400, s26;
	[sflag:s21] =	ssyncadd.s32 $0xFFFFC000  }
0x68: {  	[spmem:s3] =	stream.indirect.scatter.add.f32 [tilespmem:s16], [sflag:$0x3], $0x80, s28, s19, $0xb8;
	[tilespmem:$0x1E800] =	vst v63  }
0x69: {  	_ =	swait.ge [sflag:s17], $0x4000  }
0x6a: {  	[sflag:s17] =	ssyncset.done $0x0  }
0x6b: {  	s28 =	sadd.s32 $0x100, s26;
	[sflag:s17] =	ssyncadd.s32 $0xFFFFC000  }
0x6c: {  	[tilespmem:s16], [sflag:$0x1] =	stream.indirect.gather [hbm4b:s0+s19], $0x80, s28, s19, $0xb8;
	[tilespmem:$0x1E800] =	vst v63  }
0x6d: {  	_ =	swait.ge [sflag:s22], $0x4000  }
0x6e: {  	[sflag:s22] =	ssyncset.done $0x0  }
0x6f: {  	s29 =	sadd.s32 $0x1480, s26;
	[sflag:s22] =	ssyncadd.s32 $0xFFFFC000  }
0x70: {  	[spmem:s3] =	stream.indirect.scatter.add.f32 [tilespmem:s20], [sflag:$0x3], $0x80, s29, s19, $0xb8;
	[tilespmem:$0x1E800] =	vst v63  }
0x71: {  	_ =	swait.ge [sflag:s17], $0x4000  }
0x72: {  	[sflag:s17] =	ssyncset.done $0x0  }
0x73: {  	[sflag:s17] =	ssyncadd.s32 $0xFFFFC000  }
0x74: {  	[tilespmem:s20], [sflag:$0x2] =	stream.indirect.gather [hbm4b:s0+s19], $0x80, s23, s19, $0xb8;
	[tilespmem:$0x1E800] =	vst v63  }
0x75: {  	_ =	swait.ge [sflag:s21], $0x4000  }
0x76: {  	[sflag:s21] =	ssyncset.done $0x0  }
0x77: {  	[sflag:s21] =	ssyncadd.s32 $0xFFFFC000  }
0x78: {  	[spmem:s3] =	stream.indirect.scatter.add.f32 [tilespmem:s16], [sflag:$0x3], $0x80, s24, s19, $0xb8;
	[tilespmem:$0x1E800] =	vst v63  }
0x79: {  	_ =	swait.ge [sflag:s17], $0x4000  }
0x7a: {  	[sflag:s17] =	ssyncset.done $0x0  }
0x7b: {  	[sflag:s17] =	ssyncadd.s32 $0xFFFFC000  }
0x7c: {  	_ =	swait.ge [sflag:s22], $0x4000  }
0x7d: {  	[sflag:s22] =	ssyncset.done $0x0  }
0x7e: {  	[sflag:s22] =	ssyncadd.s32 $0xFFFFC000  }
0x7f: {  	[spmem:s3] =	stream.indirect.scatter.add.f32 [tilespmem:s20], [sflag:$0x3], $0x80, s25, s19, $0xb8;
	[tilespmem:$0x1E800] =	vst v63  }
0x80: {  	_ =	swait.ge [sflag:s17], $0x4000  }
0x81: {  	[sflag:s17] =	ssyncset.done $0x0  }
0x82: {  	s30 =	simm.s32 $0x0;
	[sflag:s17] =	ssyncadd.s32 $0xFFFFC000  }
0x83: {  	[tilespmem:s30], [sflag:$0x3] =	stream.linear.gather [hbm4b:s12+s30], $0x1400, $0x38;
	[tilespmem:$0x1E800] =	vst v63  }
0x84: {  	_ =	swait.ge [sflag:s17], $0x1400  }
0x85: {  	[sflag:s17] =	ssyncset.done $0x0  }
0x86: {  	[sflag:s17] =	ssyncadd.s32 $0xFFFFEC00  }
0x87: {  	[tilespmem:s18], [sflag:$0x3] =	stream.linear.gather [hbm4b:s13+s30], $0x1400, $0x38;
	[tilespmem:$0x1E800] =	vst v63  }
0x88: {  	_ =	swait.ge [sflag:s17], $0x1400  }
0x89: {  	[sflag:s17] =	ssyncset.done $0x0  }
0x8a: {  	[sflag:s17] =	ssyncadd.s32 $0xFFFFEC00  }
0x8b: {  	[tilespmem:s16], [sflag:$0x1] =	stream.indirect.gather [hbm4b:s0+s19], $0x80, s30, s19, $0xb8;
	[tilespmem:$0x1E800] =	vst v63  }
0x8c: {  	s31 =	simm.s32 $0x80  }
0x8d: {  	[tilespmem:s20], [sflag:$0x2] =	stream.indirect.gather [hbm4b:s0+s19], $0x80, s31, s19, $0xb8;
	[tilespmem:$0x1E800] =	vst v63  }
0x8e: {  	_ =	swait.ge [sflag:s21], $0x4000  }
0x8f: {  	[sflag:s21] =	ssyncset.done $0x0  }
0x90: {  	s29 =	simm.s32 $0x1400;
	[sflag:s21] =	ssyncadd.s32 $0xFFFFC000  }
0x91: {  	[spmem:s3] =	stream.indirect.scatter.add.f32 [tilespmem:s16], [sflag:$0x3], $0x80, s29, s19, $0xb8;
	[tilespmem:$0x1E800] =	vst v63  }
0x92: {  	_ =	swait.ge [sflag:s17], $0x4000  }
0x93: {  	[sflag:s17] =	ssyncset.done $0x0  }
0x94: {  	s30 =	simm.s32 $0x100;
	[sflag:s17] =	ssyncadd.s32 $0xFFFFC000  }
0x95: {  	[tilespmem:s16], [sflag:$0x1] =	stream.indirect.gather [hbm4b:s0+s19], $0x80, s30, s19, $0xb8;
	[tilespmem:$0x1E800] =	vst v63  }
0x96: {  	_ =	swait.ge [sflag:s22], $0x4000  }
0x97: {  	[sflag:s22] =	ssyncset.done $0x0  }
0x98: {  	s31 =	simm.s32 $0x1480;
	[sflag:s22] =	ssyncadd.s32 $0xFFFFC000  }
0x99: {  	[spmem:s3] =	stream.indirect.scatter.add.f32 [tilespmem:s20], [sflag:$0x3], $0x80, s31, s19, $0xb8;
	[tilespmem:$0x1E800] =	vst v63  }
0x9a: {  	_ =	swait.ge [sflag:s17], $0x4000  }
0x9b: {  	s26 =	simm.s32 $0x100;
	s28 =	simm.s32 $0x800;
	[sflag:s17] =	ssyncset.done $0x0  }
.LBB2_6:
0x9c: {  	s29 =	sadd.s32 $0x80, s26  }
0x9d: {  	[sflag:s17] =	ssyncadd.s32 $0xFFFFC000;
	s30 =	smov.u32 s28;
	s31 =	sadd.s32 $0x400, s28  }
0x9e: {  	[tilespmem:s20], [sflag:$0x2] =	stream.indirect.gather [hbm4b:s0+s19], $0x80, s29, s19, $0xb8;
	[tilespmem:$0x1E800] =	vst v63  }
0x9f: {  	p0 =	sne.s32 s28, $0x4800;
	_ =	swait.ge [sflag:s21], $0x4000  }
0xa0: {  	[sflag:s21] =	ssyncset.done $0x0  }
0xa1: {  	s28 =	sadd.s32 $0x1400, s26;
	[sflag:s21] =	ssyncadd.s32 $0xFFFFC000  }
0xa2: {  	[spmem:s3] =	stream.indirect.scatter.add.f32 [tilespmem:s16], [sflag:$0x3], $0x80, s28, s19, $0xb8;
	[tilespmem:$0x1E800] =	vst v63  }
0xa3: {  	_ =	swait.ge [sflag:s17], $0x4000  }
0xa4: {  	[sflag:s17] =	ssyncset.done $0x0  }
0xa5: {  	s28 =	sadd.s32 $0x100, s26;
	[sflag:s17] =	ssyncadd.s32 $0xFFFFC000  }
0xa6: {  	[tilespmem:s16], [sflag:$0x1] =	stream.indirect.gather [hbm4b:s0+s19], $0x80, s28, s19, $0xb8;
	[tilespmem:$0x1E800] =	vst v63  }
0xa7: {  	_ =	swait.ge [sflag:s22], $0x4000  }
.Ltmp2:
0xa8: {  	[sflag:s22] =	ssyncset.done $0x0;
	(pc) =	sbr.rel @p0 .LBB2_6-.Ltmp2, $4  }
0xa9: {  	s26 =	sadd.s32 $0x1480, s26;
	[sflag:s22] =	ssyncadd.s32 $0xFFFFC000  }
0xaa: {  	[spmem:s3] =	stream.indirect.scatter.add.f32 [tilespmem:s20], [sflag:$0x3], $0x80, s26, s19, $0xb8;
	[tilespmem:$0x1E800] =	vst v63  }
0xab: {  	_ =	swait.ge [sflag:s17], $0x4000  }
0xac: {  	s28 =	smov.u32 s31;
	s26 =	sshra.s32 s30, $0x2;
	[sflag:s17] =	ssyncset.done $0x0  }
0xad: {  	s28 =	sadd.s32 $0x80, s26;
	[sflag:s17] =	ssyncadd.s32 $0xFFFFC000  }
0xae: {  	[tilespmem:s20], [sflag:$0x2] =	stream.indirect.gather [hbm4b:s0+s19], $0x80, s28, s19, $0xb8;
	[tilespmem:$0x1E800] =	vst v63  }
0xaf: {  	_ =	swait.ge [sflag:s21], $0x4000  }
0xb0: {  	[sflag:s21] =	ssyncset.done $0x0  }
0xb1: {  	s30 =	sadd.s32 $0x1400, s26;
	[sflag:s21] =	ssyncadd.s32 $0xFFFFC000  }
0xb2: {  	[spmem:s3] =	stream.indirect.scatter.add.f32 [tilespmem:s16], [sflag:$0x3], $0x80, s30, s19, $0xb8;
	[tilespmem:$0x1E800] =	vst v63  }
0xb3: {  	_ =	swait.ge [sflag:s17], $0x4000  }
0xb4: {  	[sflag:s17] =	ssyncset.done $0x0  }
0xb5: {  	s31 =	sadd.s32 $0x100, s26;
	[sflag:s17] =	ssyncadd.s32 $0xFFFFC000  }
0xb6: {  	[tilespmem:s16], [sflag:$0x1] =	stream.indirect.gather [hbm4b:s0+s19], $0x80, s31, s19, $0xb8;
	[tilespmem:$0x1E800] =	vst v63  }
0xb7: {  	_ =	swait.ge [sflag:s22], $0x4000  }
0xb8: {  	[sflag:s22] =	ssyncset.done $0x0  }
0xb9: {  	s29 =	sadd.s32 $0x1480, s26;
	[sflag:s22] =	ssyncadd.s32 $0xFFFFC000  }
0xba: {  	[spmem:s3] =	stream.indirect.scatter.add.f32 [tilespmem:s20], [sflag:$0x3], $0x80, s29, s19, $0xb8;
	[tilespmem:$0x1E800] =	vst v63  }
0xbb: {  	_ =	swait.ge [sflag:s17], $0x4000  }
0xbc: {  	[sflag:s17] =	ssyncset.done $0x0  }
0xbd: {  	[sflag:s17] =	ssyncadd.s32 $0xFFFFC000  }
0xbe: {  	[tilespmem:s20], [sflag:$0x2] =	stream.indirect.gather [hbm4b:s0+s19], $0x80, s23, s19, $0xb8;
	[tilespmem:$0x1E800] =	vst v63  }
0xbf: {  	_ =	swait.ge [sflag:s21], $0x4000  }
0xc0: {  	[sflag:s21] =	ssyncset.done $0x0  }
0xc1: {  	[sflag:s21] =	ssyncadd.s32 $0xFFFFC000  }
0xc2: {  	[spmem:s3] =	stream.indirect.scatter.add.f32 [tilespmem:s16], [sflag:$0x3], $0x80, s24, s19, $0xb8;
	[tilespmem:$0x1E800] =	vst v63  }
0xc3: {  	_ =	swait.ge [sflag:s17], $0x4000  }
0xc4: {  	[sflag:s17] =	ssyncset.done $0x0  }
0xc5: {  	[sflag:s17] =	ssyncadd.s32 $0xFFFFC000  }
0xc6: {  	_ =	swait.ge [sflag:s22], $0x4000  }
0xc7: {  	[sflag:s22] =	ssyncset.done $0x0  }
0xc8: {  	[sflag:s22] =	ssyncadd.s32 $0xFFFFC000  }
0xc9: {  	[spmem:s3] =	stream.indirect.scatter.add.f32 [tilespmem:s20], [sflag:$0x3], $0x80, s25, s19, $0xb8;
	[tilespmem:$0x1E800] =	vst v63  }
0xca: {  	_ =	swait.ge [sflag:s17], $0x4000  }
0xcb: {  	s4 =	sadd.s32 $0x1, s4;
	s30 =	sshll.u32 s1, $0x6;
	[sflag:s17] =	ssyncset.done $0x0  }
0xcc: {  	p0 =	sne.s32 s4, s15;
	s26 =	sor.u32 $0x1C03, s30;
	[sflag:s17] =	ssyncadd.s32 $0xFFFFC000  }
.Ltmp3:
0xcd: {  	s31 =	sshrl.u32 s5, $0x3;
	[bflag:$0x0] =	sbarrier.arrive $0xFFFF;
	(pc) =	sbr.rel @p0 .LBB2_1-.Ltmp3, $4  }
0xce: {  	[hbm:s14], [sflag:s26] =	dma.local [spmem:s31], $0x2800  }
0xcf: {  	_ =	swait.ge [sflag:s17], $0x2800  }
0xd0: {  	[sflag:s17] =	ssyncset.done $0x0  }
0xd1: {  	[sflag:s17] =	ssyncadd.s32 $0xFFFFD800  }
0xd2: {  	_ =	sfence.sel $0x180000  }
0xd3: {  	[bflag:$0x0] =	sbarrier.arrive $0xFFFF  }
0xd4: {  	p0 =	sne.s32 s1, $0x0;
	_ =	strace $0x90000047  }
0xd5: {  	s0 =	sadd.s32 @!p0 $0x100000, s2;
	[bflag:$0x2] =	sbarrier.arrive $0xFFFF  }
0xd6: {  	[sflag:s0] =	ssyncadd.tile.s32 @!p0 $0x1;
	_ =	shalt  }
.Lfunc_end2:
_tile_overlayer_lowered:
.L_overlay_start_2:
0xd7: {  	(tag) =	ssettag $0x2  }
0xd8: {  	s0 =	rddreg [dreg:$0x0];
	s2 =	stileid.u32  }
0xd9: {  	s1 =	rddreg [dreg:$0x1];
	p0 =	sne.s32 s2, $0x0  }
0xda: {  	s3 =	rddreg [dreg:$0x2];
	[bflag:$0x3] =	sbarrier.arrive $0xFFFF;
	s2 =	simm.s32 @!p0 $0x1C03  }
0xdb: {  	[timem:s3], [sflag:s2] =	dma.local @!p0 [hbm:s0], s1  }
0xdc: {  	s0 =	simm.s32 @!p0 $0x3  }
0xdd: {  	_ =	swait.ge @!p0 [sflag:s0], s1  }
0xde: {  	s1 =	ssub.s32 @!p0 $0x0, s1;
	[sflag:s0] =	ssyncset.done @!p0 $0x0  }
0xdf: {  	[sflag:s0] =	ssyncadd.s32 @!p0 s1  }
0xe0: {  	[bflag:$0x3] =	sbarrier.arrive $0xFFFF  }
0xe1: {  	_ =	shalt  }

</sc_bundles>
